<compile_context>
chip_gen: v7x
topology: tpu7x:2x2x1
jax: 0.10.2.dev20260603
libtpu: 0.0.44.dev20260713+nightly
codegen_flags: <defaults>
</compile_context>

<pallas_src>
import functools

import jax
import jax.numpy as jnp
from jax import lax
from jax.experimental import pallas as pl
from jax.experimental.pallas import tpu as pltpu
from jax.experimental.pallas import tpu_sc as plsc

NC = 2
NS = 16
NW = NC * NS

CHUNK = 400
PACK_BC = 16384


def _tc_pack_table(table_t):
    d, v = table_t.shape
    bc = PACK_BC
    grid = (v + bc - 1) // bc
    tail = v - (grid - 1) * bc
    dn = (((0,), (0,)), ((), ()))
    eye = jnp.eye(d, dtype=jnp.float32)

    def pack_kernel(t_ref, e_ref, o_hbm, y0, y1, s0, s1):
        i = pl.program_id(0)

        def compute():
            yt = lax.dot_general(
                t_ref[...], e_ref[...], dn, preferred_element_type=jnp.float32)
            return jnp.concatenate([yt, jnp.zeros_like(yt)], axis=1)

        def dst(base, rows=bc):
            return o_hbm.at[pl.ds(base, rows), :]

        def ring(y, s, parity):
            @pl.when(jnp.logical_and(i != grid - 1, i % 2 == parity))
            def _():
                @pl.when(i >= 2)
                def _w():
                    pltpu.make_async_copy(y, dst(0), s).wait()
                y[...] = compute()
                pltpu.make_async_copy(y, dst(i * bc), s).start()

        ring(y0, s0, 0)
        ring(y1, s1, 1)

        @pl.when(i == grid - 1)
        def _tail():
            pltpu.make_async_copy(y0, dst(0), s0).wait()
            y0[...] = compute()
            cp = pltpu.make_async_copy(
                y0.at[pl.ds(0, tail)], dst((grid - 1) * bc, tail), s0)
            cp.start()
            cp.wait()
            pltpu.make_async_copy(y1, dst(0), s1).wait()

    return pl.pallas_call(
        pack_kernel,
        grid=(grid,),
        in_specs=[
            pl.BlockSpec((d, bc), lambda i: (0, i)),
            pl.BlockSpec((d, d), lambda i: (0, 0)),
        ],
        out_specs=pl.BlockSpec(memory_space=pl.ANY),
        out_shape=jax.ShapeDtypeStruct((v, 2 * d), jnp.float32),
        scratch_shapes=[
            pltpu.VMEM((bc, 2 * d), jnp.float32),
            pltpu.VMEM((bc, 2 * d), jnp.float32),
            pltpu.SemaphoreType.DMA,
            pltpu.SemaphoreType.DMA,
        ],
        compiler_params=pltpu.CompilerParams(
            fuse_transposed_lhs_in_matmul=True),
    )(table_t, eye)


def _sc_gather(table_z, ids, n):
    dz = table_z.shape[1]
    per_w = n // NW
    steps = per_w // CHUNK
    mesh = plsc.VectorSubcoreMesh(core_axis_name="c", subcore_axis_name="s")

    @functools.partial(
        pl.kernel,
        out_type=jax.ShapeDtypeStruct((n, dz), jnp.float32),
        mesh=mesh,
        scratch_types=[
            pltpu.VMEM((CHUNK,), jnp.int32),
            pltpu.VMEM((CHUNK,), jnp.int32),
            pltpu.VMEM((CHUNK, dz), jnp.float32),
            pltpu.VMEM((CHUNK, dz), jnp.float32),
            pltpu.SemaphoreType.DMA,
            pltpu.SemaphoreType.DMA,
            pltpu.SemaphoreType.DMA,
            pltpu.SemaphoreType.DMA,
        ],
        compiler_params=pltpu.CompilerParams(use_tc_tiling_on_sc=False),
    )
    def gather_kernel(tab, idx_hbm, out_hbm,
                      idx0, idx1, rows0, rows1, sg0, sg1, sw0, sw1):
        wid = lax.axis_index("s") * NC + lax.axis_index("c")
        base = wid * per_w
        idx = (idx0, idx1)
        rows = (rows0, rows1)
        sg = (sg0, sg1)
        sw = (sw0, sw1)

        def fire(c):
            p = c % 2
            pltpu.sync_copy(idx_hbm.at[pl.ds(base + c * CHUNK, CHUNK)], idx[p])
            return pltpu.async_copy(tab.at[idx[p]], rows[p], sg[p])

        g = [None] * steps
        w = [None] * steps
        g[0] = fire(0)
        for i in range(steps):
            p = i % 2
            if i + 1 < steps:
                if i >= 1:
                    w[i - 1].wait()
                g[i + 1] = fire(i + 1)
            g[i].wait()
            w[i] = pltpu.make_async_copy(
                rows[p], out_hbm.at[pl.ds(base + i * CHUNK, CHUNK)], sw[p])
            w[i].start()
        w[steps - 2].wait()
        w[steps - 1].wait()

    return gather_kernel(table_z, ids)


def _tc_project(x2, wz, b, bsz, seq, batch_block, block_off=0, out_prev=None):
    n, k = x2.shape
    h = wz.shape[1]
    rows_per_block = batch_block * seq

    def matmul_kernel(*refs):
        x_ref, w_ref, b_ref = refs[0], refs[1], refs[2]
        o_ref = refs[-1]
        y = jnp.dot(x_ref[...], w_ref[...],
                    preferred_element_type=jnp.float32) + b_ref[...]
        o_ref[...] = y.reshape(batch_block, seq, h)

    in_specs = [
        pl.BlockSpec((rows_per_block, k), lambda i: (i, 0)),
        pl.BlockSpec((k, h), lambda i: (0, 0)),
        pl.BlockSpec((1, h), lambda i: (0, 0)),
    ]
    args = [x2, wz, b.reshape(1, h)]
    kwargs = {}
    if out_prev is not None:
        in_specs.append(pl.BlockSpec(memory_space=pl.ANY))
        args.append(out_prev)
        kwargs["input_output_aliases"] = {3: 0}

    return pl.pallas_call(
        matmul_kernel,
        grid=(n // rows_per_block,),
        in_specs=in_specs,
        out_specs=pl.BlockSpec(
            (batch_block, seq, h), lambda i: (i + block_off, 0, 0)),
        out_shape=jax.ShapeDtypeStruct((bsz, seq, h), jnp.float32),
        **kwargs,
    )(*args)


def kernel(input_ids, token_embed, W, b):
    bsz, seq = input_ids.shape
    n = bsz * seq
    v, d = token_embed.shape
    h = W.shape[1]
    ids = input_ids.reshape(n).astype(jnp.int32)
    table_z = _tc_pack_table(token_embed.T)
    wz = jnp.concatenate([W, jnp.zeros_like(W)], axis=0)
    x2 = _sc_gather(table_z, ids, n)
    return _tc_project(x2, wz, b, bsz, seq, batch_block=32)

# --- scband reference (transcript-rebuilt; emitter-appended) ---
"""Pipeline reference for scband-factorized-embedding-27066883899735 (READ-ONLY COPY).

The authoritative reference and input builder live on the scoring server;
editing this copy changes nothing except your own understanding.
"""

import jax, jax.numpy as jnp
import numpy as np

VOCAB = 1000000
EMBED_DIM = 64
HIDDEN_DIM = 256
BATCH = 1024
SEQ = 200

def setup_inputs(seed: int = 0) -> dict:
    key = jax.random.key(seed)
    k_ids, k_tab, k_w, k_b = jax.random.split(key, 4)
    input_ids = jax.random.randint(k_ids, (BATCH, SEQ), 0, VOCAB, dtype=jnp.int64 if jax.config.read('jax_enable_x64') else jnp.int32)
    # flax nn.Embed default init: normal(stddev=1.0) scaled variance; use normal
    token_embed = jax.random.normal(k_tab, (VOCAB, EMBED_DIM), dtype=jnp.float32) * 0.02
    # nn.Dense: kernel [embed_dim, hidden_dim] (lecun_normal-ish), bias zeros
    W = jax.random.normal(k_w, (EMBED_DIM, HIDDEN_DIM), dtype=jnp.float32) * (1.0 / np.sqrt(EMBED_DIM))
    b = jnp.zeros((HIDDEN_DIM,), dtype=jnp.float32)
    return {"input_ids": input_ids, "token_embed": token_embed, "W": W, "b": b}

def reference(input_ids, token_embed, W, b):
    # Embedding lookup (gather): [B, S] -> [B, S, embed_dim]
    x = jnp.take(token_embed, input_ids, axis=0)
    # Factorized up-projection: [B, S, embed_dim] @ [embed_dim, hidden_dim] + b
    x = jnp.einsum('bse,eh->bsh', x, W) + b
    # dropout=0.0 / deterministic=True -> identity
    return x

if __name__ == "__main__":
    import jax
    _d = setup_inputs()
    print(jax.jit(kernel)(*tuple(_d.values())))

</pallas_src>

<mosaic_0001>
#map = affine_map<(d0, d1) -> (0, 0)>
#map1 = affine_map<(d0, d1) -> (0)>
module attributes {stable_mosaic.version = 14 : i64} {
  func.func @gather_kernel(%arg0: i32, %arg1: i32, %arg2: memref<1000000x128xf32, #tpu.memory_space<hbm>>, %arg3: memref<204800xi32, #tpu.memory_space<hbm>>, %arg4: memref<204800x128xf32, #tpu.memory_space<hbm>>, %arg5: memref<400xi32, #tpu.memory_space<vmem>>, %arg6: memref<400xi32, #tpu.memory_space<vmem>>, %arg7: memref<400x128xf32, #tpu.memory_space<vmem>>, %arg8: memref<400x128xf32, #tpu.memory_space<vmem>>, %arg9: memref<!tpu.dma_semaphore, #tpu.memory_space<semaphore_mem>>, %arg10: memref<!tpu.dma_semaphore, #tpu.memory_space<semaphore_mem>>, %arg11: memref<!tpu.dma_semaphore, #tpu.memory_space<semaphore_mem>>, %arg12: memref<!tpu.dma_semaphore, #tpu.memory_space<semaphore_mem>>) attributes {dimension_semantics = [#tpu.dimension_semantics<core_parallel>, #tpu.dimension_semantics<subcore_parallel>], iteration_bounds = array<i64: 2, 16>, scalar_prefetch = 0 : i64, scratch_operands = 8 : i64, tpu.core_type = #tpu.core_type<sc_vector_subcore>, window_params = [{transform_indices = #map}, {transform_indices = #map1}, {transform_indices = #map}]} {
    %mul3A = arith.constant 2 : i32
    %mul3A_0 = arith.muli %arg1, %mul3A : i32
    %add3A = arith.addi %mul3A_0, %arg0 : i32
    %mul3A_1 = arith.constant 6400 : i32
    %mul3A_2 = arith.muli %add3A, %mul3A_1 : i32
    %add3A_3 = arith.constant 0 : i32
    %add3A_4 = arith.addi %mul3A_2, %add3A_3 : i32
    "tpu.region"() ({
      %run_scoped3A = tpu.sem_alloc : memref<!tpu.dma_semaphore, #tpu.memory_space<semaphore_mem>>
      %dma_start3A_289 = tpu.memref_slice %arg3[%add3A_4] : memref<204800xi32, #tpu.memory_space<hbm>> -> memref<400xi32, #tpu.memory_space<hbm>>
      %dma_start3A_290 = tpu.memref_slice %arg3[%add3A_4] : memref<204800xi32, #tpu.memory_space<hbm>> -> memref<400xi32, #tpu.memory_space<hbm>>
      tpu.enqueue_dma source(%dma_start3A_290 : memref<400xi32, #tpu.memory_space<hbm>>) target(%arg5 : memref<400xi32, #tpu.memory_space<vmem>>) target_semaphore(%run_scoped3A : memref<!tpu.dma_semaphore, #tpu.memory_space<semaphore_mem>>)
      %dma_wait3A_291 = tpu.memref_slice %arg3[%add3A_4] : memref<204800xi32, #tpu.memory_space<hbm>> -> memref<400xi32, #tpu.memory_space<hbm>>
      %dma_wait3A_292 = tpu.memref_slice %arg3[%add3A_4] : memref<204800xi32, #tpu.memory_space<hbm>> -> memref<400xi32, #tpu.memory_space<hbm>>
      tpu.wait_dma2 semaphore(%run_scoped3A : memref<!tpu.dma_semaphore, #tpu.memory_space<semaphore_mem>>) src(%dma_wait3A_292 : memref<400xi32, #tpu.memory_space<hbm>>) dst(%arg5 : memref<400xi32, #tpu.memory_space<vmem>>)
      tpu.yield
    }) : () -> ()
    %dma_start3A = arith.constant 0 : i32
    %dma_start3A_5 = arith.constant 0 : i32
    %dma_start3A_6 = tpu.memref_slice %arg2[%dma_start3A, %dma_start3A_5] : memref<1000000x128xf32, #tpu.memory_space<hbm>> -> memref<1000000x128xf32, #tpu.memory_space<hbm>>
    tpu.enqueue_indirect_dma source(%dma_start3A_6 : memref<1000000x128xf32, #tpu.memory_space<hbm>>) target(%arg7 : memref<400x128xf32, #tpu.memory_space<vmem>>) offsets(%arg5 : memref<400xi32, #tpu.memory_space<vmem>>) semaphore(%arg9 : memref<!tpu.dma_semaphore, #tpu.memory_space<semaphore_mem>>)
    %add3A_7 = arith.constant 400 : i32
    %add3A_8 = arith.addi %mul3A_2, %add3A_7 : i32
    "tpu.region"() ({
      %run_scoped3A = tpu.sem_alloc : memref<!tpu.dma_semaphore, #tpu.memory_space<semaphore_mem>>
      %dma_start3A_289 = tpu.memref_slice %arg3[%add3A_8] : memref<204800xi32, #tpu.memory_space<hbm>> -> memref<400xi32, #tpu.memory_space<hbm>>
      %dma_start3A_290 = tpu.memref_slice %arg3[%add3A_8] : memref<204800xi32, #tpu.memory_space<hbm>> -> memref<400xi32, #tpu.memory_space<hbm>>
      tpu.enqueue_dma source(%dma_start3A_290 : memref<400xi32, #tpu.memory_space<hbm>>) target(%arg6 : memref<400xi32, #tpu.memory_space<vmem>>) target_semaphore(%run_scoped3A : memref<!tpu.dma_semaphore, #tpu.memory_space<semaphore_mem>>)
      %dma_wait3A_291 = tpu.memref_slice %arg3[%add3A_8] : memref<204800xi32, #tpu.memory_space<hbm>> -> memref<400xi32, #tpu.memory_space<hbm>>
      %dma_wait3A_292 = tpu.memref_slice %arg3[%add3A_8] : memref<204800xi32, #tpu.memory_space<hbm>> -> memref<400xi32, #tpu.memory_space<hbm>>
      tpu.wait_dma2 semaphore(%run_scoped3A : memref<!tpu.dma_semaphore, #tpu.memory_space<semaphore_mem>>) src(%dma_wait3A_292 : memref<400xi32, #tpu.memory_space<hbm>>) dst(%arg6 : memref<400xi32, #tpu.memory_space<vmem>>)
      tpu.yield
    }) : () -> ()
    %dma_start3A_9 = arith.constant 0 : i32
    %dma_start3A_10 = arith.constant 0 : i32
    %dma_start3A_11 = tpu.memref_slice %arg2[%dma_start3A_9, %dma_start3A_10] : memref<1000000x128xf32, #tpu.memory_space<hbm>> -> memref<1000000x128xf32, #tpu.memory_space<hbm>>
    tpu.enqueue_indirect_dma source(%dma_start3A_11 : memref<1000000x128xf32, #tpu.memory_space<hbm>>) target(%arg8 : memref<400x128xf32, #tpu.memory_space<vmem>>) offsets(%arg6 : memref<400xi32, #tpu.memory_space<vmem>>) semaphore(%arg10 : memref<!tpu.dma_semaphore, #tpu.memory_space<semaphore_mem>>)
    %dma_wait3A = arith.constant 0 : i32
    %dma_wait3A_12 = arith.constant 0 : i32
    %dma_wait3A_13 = tpu.memref_slice %arg2[%dma_wait3A, %dma_wait3A_12] : memref<1000000x128xf32, #tpu.memory_space<hbm>> -> memref<1000000x128xf32, #tpu.memory_space<hbm>>
    tpu.wait_indirect_dma semaphore(%arg9 : memref<!tpu.dma_semaphore, #tpu.memory_space<semaphore_mem>>) src(%dma_wait3A_13 : memref<1000000x128xf32, #tpu.memory_space<hbm>>) dst(%arg7 : memref<400x128xf32, #tpu.memory_space<vmem>>)
    %add3A_14 = arith.constant 0 : i32
    %add3A_15 = arith.addi %mul3A_2, %add3A_14 : i32
    %dma_start3A_16 = arith.constant 0 : i32
    %dma_start3A_17 = tpu.memref_slice %arg4[%add3A_15, %dma_start3A_16] : memref<204800x128xf32, #tpu.memory_space<hbm>> -> memref<400x128xf32, #tpu.memory_space<hbm>>
    %dma_start3A_18 = arith.constant 0 : i32
    %dma_start3A_19 = tpu.memref_slice %arg4[%add3A_15, %dma_start3A_18] : memref<204800x128xf32, #tpu.memory_space<hbm>> -> memref<400x128xf32, #tpu.memory_space<hbm>>
    tpu.enqueue_dma source(%arg7 : memref<400x128xf32, #tpu.memory_space<vmem>>) target(%dma_start3A_19 : memref<400x128xf32, #tpu.memory_space<hbm>>) target_semaphore(%arg11 : memref<!tpu.dma_semaphore, #tpu.memory_space<semaphore_mem>>)
    %dma_wait3A_20 = arith.constant 0 : i32
    %dma_wait3A_21 = tpu.memref_slice %arg4[%add3A_15, %dma_wait3A_20] : memref<204800x128xf32, #tpu.memory_space<hbm>> -> memref<400x128xf32, #tpu.memory_space<hbm>>
    %dma_wait3A_22 = arith.constant 0 : i32
    %dma_wait3A_23 = tpu.memref_slice %arg4[%add3A_15, %dma_wait3A_22] : memref<204800x128xf32, #tpu.memory_space<hbm>> -> memref<400x128xf32, #tpu.memory_space<hbm>>
    tpu.wait_dma2 semaphore(%arg11 : memref<!tpu.dma_semaphore, #tpu.memory_space<semaphore_mem>>) src(%arg7 : memref<400x128xf32, #tpu.memory_space<vmem>>) dst(%dma_wait3A_23 : memref<400x128xf32, #tpu.memory_space<hbm>>)
    %add3A_24 = arith.constant 800 : i32
    %add3A_25 = arith.addi %mul3A_2, %add3A_24 : i32
    "tpu.region"() ({
      %run_scoped3A = tpu.sem_alloc : memref<!tpu.dma_semaphore, #tpu.memory_space<semaphore_mem>>
      %dma_start3A_289 = tpu.memref_slice %arg3[%add3A_25] : memref<204800xi32, #tpu.memory_space<hbm>> -> memref<400xi32, #tpu.memory_space<hbm>>
      %dma_start3A_290 = tpu.memref_slice %arg3[%add3A_25] : memref<204800xi32, #tpu.memory_space<hbm>> -> memref<400xi32, #tpu.memory_space<hbm>>
      tpu.enqueue_dma source(%dma_start3A_290 : memref<400xi32, #tpu.memory_space<hbm>>) target(%arg5 : memref<400xi32, #tpu.memory_space<vmem>>) target_semaphore(%run_scoped3A : memref<!tpu.dma_semaphore, #tpu.memory_space<semaphore_mem>>)
      %dma_wait3A_291 = tpu.memref_slice %arg3[%add3A_25] : memref<204800xi32, #tpu.memory_space<hbm>> -> memref<400xi32, #tpu.memory_space<hbm>>
      %dma_wait3A_292 = tpu.memref_slice %arg3[%add3A_25] : memref<204800xi32, #tpu.memory_space<hbm>> -> memref<400xi32, #tpu.memory_space<hbm>>
      tpu.wait_dma2 semaphore(%run_scoped3A : memref<!tpu.dma_semaphore, #tpu.memory_space<semaphore_mem>>) src(%dma_wait3A_292 : memref<400xi32, #tpu.memory_space<hbm>>) dst(%arg5 : memref<400xi32, #tpu.memory_space<vmem>>)
      tpu.yield
    }) : () -> ()
    %dma_start3A_26 = arith.constant 0 : i32
    %dma_start3A_27 = arith.constant 0 : i32
    %dma_start3A_28 = tpu.memref_slice %arg2[%dma_start3A_26, %dma_start3A_27] : memref<1000000x128xf32, #tpu.memory_space<hbm>> -> memref<1000000x128xf32, #tpu.memory_space<hbm>>
    tpu.enqueue_indirect_dma source(%dma_start3A_28 : memref<1000000x128xf32, #tpu.memory_space<hbm>>) target(%arg7 : memref<400x128xf32, #tpu.memory_space<vmem>>) offsets(%arg5 : memref<400xi32, #tpu.memory_space<vmem>>) semaphore(%arg9 : memref<!tpu.dma_semaphore, #tpu.memory_space<semaphore_mem>>)
    %dma_wait3A_29 = arith.constant 0 : i32
    %dma_wait3A_30 = arith.constant 0 : i32
    %dma_wait3A_31 = tpu.memref_slice %arg2[%dma_wait3A_29, %dma_wait3A_30] : memref<1000000x128xf32, #tpu.memory_space<hbm>> -> memref<1000000x128xf32, #tpu.memory_space<hbm>>
    tpu.wait_indirect_dma semaphore(%arg10 : memref<!tpu.dma_semaphore, #tpu.memory_space<semaphore_mem>>) src(%dma_wait3A_31 : memref<1000000x128xf32, #tpu.memory_space<hbm>>) dst(%arg8 : memref<400x128xf32, #tpu.memory_space<vmem>>)
    %add3A_32 = arith.constant 400 : i32
    %add3A_33 = arith.addi %mul3A_2, %add3A_32 : i32
    %dma_start3A_34 = arith.constant 0 : i32
    %dma_start3A_35 = tpu.memref_slice %arg4[%add3A_33, %dma_start3A_34] : memref<204800x128xf32, #tpu.memory_space<hbm>> -> memref<400x128xf32, #tpu.memory_space<hbm>>
    %dma_start3A_36 = arith.constant 0 : i32
    %dma_start3A_37 = tpu.memref_slice %arg4[%add3A_33, %dma_start3A_36] : memref<204800x128xf32, #tpu.memory_space<hbm>> -> memref<400x128xf32, #tpu.memory_space<hbm>>
    tpu.enqueue_dma source(%arg8 : memref<400x128xf32, #tpu.memory_space<vmem>>) target(%dma_start3A_37 : memref<400x128xf32, #tpu.memory_space<hbm>>) target_semaphore(%arg12 : memref<!tpu.dma_semaphore, #tpu.memory_space<semaphore_mem>>)
    %dma_wait3A_38 = arith.constant 0 : i32
    %dma_wait3A_39 = tpu.memref_slice %arg4[%add3A_33, %dma_wait3A_38] : memref<204800x128xf32, #tpu.memory_space<hbm>> -> memref<400x128xf32, #tpu.memory_space<hbm>>
    %dma_wait3A_40 = arith.constant 0 : i32
    %dma_wait3A_41 = tpu.memref_slice %arg4[%add3A_33, %dma_wait3A_40] : memref<204800x128xf32, #tpu.memory_space<hbm>> -> memref<400x128xf32, #tpu.memory_space<hbm>>
    tpu.wait_dma2 semaphore(%arg12 : memref<!tpu.dma_semaphore, #tpu.memory_space<semaphore_mem>>) src(%arg8 : memref<400x128xf32, #tpu.memory_space<vmem>>) dst(%dma_wait3A_41 : memref<400x128xf32, #tpu.memory_space<hbm>>)
    %add3A_42 = arith.constant 1200 : i32
    %add3A_43 = arith.addi %mul3A_2, %add3A_42 : i32
    "tpu.region"() ({
      %run_scoped3A = tpu.sem_alloc : memref<!tpu.dma_semaphore, #tpu.memory_space<semaphore_mem>>
      %dma_start3A_289 = tpu.memref_slice %arg3[%add3A_43] : memref<204800xi32, #tpu.memory_space<hbm>> -> memref<400xi32, #tpu.memory_space<hbm>>
      %dma_start3A_290 = tpu.memref_slice %arg3[%add3A_43] : memref<204800xi32, #tpu.memory_space<hbm>> -> memref<400xi32, #tpu.memory_space<hbm>>
      tpu.enqueue_dma source(%dma_start3A_290 : memref<400xi32, #tpu.memory_space<hbm>>) target(%arg6 : memref<400xi32, #tpu.memory_space<vmem>>) target_semaphore(%run_scoped3A : memref<!tpu.dma_semaphore, #tpu.memory_space<semaphore_mem>>)
      %dma_wait3A_291 = tpu.memref_slice %arg3[%add3A_43] : memref<204800xi32, #tpu.memory_space<hbm>> -> memref<400xi32, #tpu.memory_space<hbm>>
      %dma_wait3A_292 = tpu.memref_slice %arg3[%add3A_43] : memref<204800xi32, #tpu.memory_space<hbm>> -> memref<400xi32, #tpu.memory_space<hbm>>
      tpu.wait_dma2 semaphore(%run_scoped3A : memref<!tpu.dma_semaphore, #tpu.memory_space<semaphore_mem>>) src(%dma_wait3A_292 : memref<400xi32, #tpu.memory_space<hbm>>) dst(%arg6 : memref<400xi32, #tpu.memory_space<vmem>>)
      tpu.yield
    }) : () -> ()
    %dma_start3A_44 = arith.constant 0 : i32
    %dma_start3A_45 = arith.constant 0 : i32
    %dma_start3A_46 = tpu.memref_slice %arg2[%dma_start3A_44, %dma_start3A_45] : memref<1000000x128xf32, #tpu.memory_space<hbm>> -> memref<1000000x128xf32, #tpu.memory_space<hbm>>
    tpu.enqueue_indirect_dma source(%dma_start3A_46 : memref<1000000x128xf32, #tpu.memory_space<hbm>>) target(%arg8 : memref<400x128xf32, #tpu.memory_space<vmem>>) offsets(%arg6 : memref<400xi32, #tpu.memory_space<vmem>>) semaphore(%arg10 : memref<!tpu.dma_semaphore, #tpu.memory_space<semaphore_mem>>)
    %dma_wait3A_47 = arith.constant 0 : i32
    %dma_wait3A_48 = arith.constant 0 : i32
    %dma_wait3A_49 = tpu.memref_slice %arg2[%dma_wait3A_47, %dma_wait3A_48] : memref<1000000x128xf32, #tpu.memory_space<hbm>> -> memref<1000000x128xf32, #tpu.memory_space<hbm>>
    tpu.wait_indirect_dma semaphore(%arg9 : memref<!tpu.dma_semaphore, #tpu.memory_space<semaphore_mem>>) src(%dma_wait3A_49 : memref<1000000x128xf32, #tpu.memory_space<hbm>>) dst(%arg7 : memref<400x128xf32, #tpu.memory_space<vmem>>)
    %add3A_50 = arith.constant 800 : i32
    %add3A_51 = arith.addi %mul3A_2, %add3A_50 : i32
    %dma_start3A_52 = arith.constant 0 : i32
    %dma_start3A_53 = tpu.memref_slice %arg4[%add3A_51, %dma_start3A_52] : memref<204800x128xf32, #tpu.memory_space<hbm>> -> memref<400x128xf32, #tpu.memory_space<hbm>>
    %dma_start3A_54 = arith.constant 0 : i32
    %dma_start3A_55 = tpu.memref_slice %arg4[%add3A_51, %dma_start3A_54] : memref<204800x128xf32, #tpu.memory_space<hbm>> -> memref<400x128xf32, #tpu.memory_space<hbm>>
    tpu.enqueue_dma source(%arg7 : memref<400x128xf32, #tpu.memory_space<vmem>>) target(%dma_start3A_55 : memref<400x128xf32, #tpu.memory_space<hbm>>) target_semaphore(%arg11 : memref<!tpu.dma_semaphore, #tpu.memory_space<semaphore_mem>>)
    %dma_wait3A_56 = arith.constant 0 : i32
    %dma_wait3A_57 = tpu.memref_slice %arg4[%add3A_51, %dma_wait3A_56] : memref<204800x128xf32, #tpu.memory_space<hbm>> -> memref<400x128xf32, #tpu.memory_space<hbm>>
    %dma_wait3A_58 = arith.constant 0 : i32
    %dma_wait3A_59 = tpu.memref_slice %arg4[%add3A_51, %dma_wait3A_58] : memref<204800x128xf32, #tpu.memory_space<hbm>> -> memref<400x128xf32, #tpu.memory_space<hbm>>
    tpu.wait_dma2 semaphore(%arg11 : memref<!tpu.dma_semaphore, #tpu.memory_space<semaphore_mem>>) src(%arg7 : memref<400x128xf32, #tpu.memory_space<vmem>>) dst(%dma_wait3A_59 : memref<400x128xf32, #tpu.memory_space<hbm>>)
    %add3A_60 = arith.constant 1600 : i32
    %add3A_61 = arith.addi %mul3A_2, %add3A_60 : i32
    "tpu.region"() ({
      %run_scoped3A = tpu.sem_alloc : memref<!tpu.dma_semaphore, #tpu.memory_space<semaphore_mem>>
      %dma_start3A_289 = tpu.memref_slice %arg3[%add3A_61] : memref<204800xi32, #tpu.memory_space<hbm>> -> memref<400xi32, #tpu.memory_space<hbm>>
      %dma_start3A_290 = tpu.memref_slice %arg3[%add3A_61] : memref<204800xi32, #tpu.memory_space<hbm>> -> memref<400xi32, #tpu.memory_space<hbm>>
      tpu.enqueue_dma source(%dma_start3A_290 : memref<400xi32, #tpu.memory_space<hbm>>) target(%arg5 : memref<400xi32, #tpu.memory_space<vmem>>) target_semaphore(%run_scoped3A : memref<!tpu.dma_semaphore, #tpu.memory_space<semaphore_mem>>)
      %dma_wait3A_291 = tpu.memref_slice %arg3[%add3A_61] : memref<204800xi32, #tpu.memory_space<hbm>> -> memref<400xi32, #tpu.memory_space<hbm>>
      %dma_wait3A_292 = tpu.memref_slice %arg3[%add3A_61] : memref<204800xi32, #tpu.memory_space<hbm>> -> memref<400xi32, #tpu.memory_space<hbm>>
      tpu.wait_dma2 semaphore(%run_scoped3A : memref<!tpu.dma_semaphore, #tpu.memory_space<semaphore_mem>>) src(%dma_wait3A_292 : memref<400xi32, #tpu.memory_space<hbm>>) dst(%arg5 : memref<400xi32, #tpu.memory_space<vmem>>)
      tpu.yield
    }) : () -> ()
    %dma_start3A_62 = arith.constant 0 : i32
    %dma_start3A_63 = arith.constant 0 : i32
    %dma_start3A_64 = tpu.memref_slice %arg2[%dma_start3A_62, %dma_start3A_63] : memref<1000000x128xf32, #tpu.memory_space<hbm>> -> memref<1000000x128xf32, #tpu.memory_space<hbm>>
    tpu.enqueue_indirect_dma source(%dma_start3A_64 : memref<1000000x128xf32, #tpu.memory_space<hbm>>) target(%arg7 : memref<400x128xf32, #tpu.memory_space<vmem>>) offsets(%arg5 : memref<400xi32, #tpu.memory_space<vmem>>) semaphore(%arg9 : memref<!tpu.dma_semaphore, #tpu.memory_space<semaphore_mem>>)
    %dma_wait3A_65 = arith.constant 0 : i32
    %dma_wait3A_66 = arith.constant 0 : i32
    %dma_wait3A_67 = tpu.memref_slice %arg2[%dma_wait3A_65, %dma_wait3A_66] : memref<1000000x128xf32, #tpu.memory_space<hbm>> -> memref<1000000x128xf32, #tpu.memory_space<hbm>>
    tpu.wait_indirect_dma semaphore(%arg10 : memref<!tpu.dma_semaphore, #tpu.memory_space<semaphore_mem>>) src(%dma_wait3A_67 : memref<1000000x128xf32, #tpu.memory_space<hbm>>) dst(%arg8 : memref<400x128xf32, #tpu.memory_space<vmem>>)
    %add3A_68 = arith.constant 1200 : i32
    %add3A_69 = arith.addi %mul3A_2, %add3A_68 : i32
    %dma_start3A_70 = arith.constant 0 : i32
    %dma_start3A_71 = tpu.memref_slice %arg4[%add3A_69, %dma_start3A_70] : memref<204800x128xf32, #tpu.memory_space<hbm>> -> memref<400x128xf32, #tpu.memory_space<hbm>>
    %dma_start3A_72 = arith.constant 0 : i32
    %dma_start3A_73 = tpu.memref_slice %arg4[%add3A_69, %dma_start3A_72] : memref<204800x128xf32, #tpu.memory_space<hbm>> -> memref<400x128xf32, #tpu.memory_space<hbm>>
    tpu.enqueue_dma source(%arg8 : memref<400x128xf32, #tpu.memory_space<vmem>>) target(%dma_start3A_73 : memref<400x128xf32, #tpu.memory_space<hbm>>) target_semaphore(%arg12 : memref<!tpu.dma_semaphore, #tpu.memory_space<semaphore_mem>>)
    %dma_wait3A_74 = arith.constant 0 : i32
    %dma_wait3A_75 = tpu.memref_slice %arg4[%add3A_69, %dma_wait3A_74] : memref<204800x128xf32, #tpu.memory_space<hbm>> -> memref<400x128xf32, #tpu.memory_space<hbm>>
    %dma_wait3A_76 = arith.constant 0 : i32
    %dma_wait3A_77 = tpu.memref_slice %arg4[%add3A_69, %dma_wait3A_76] : memref<204800x128xf32, #tpu.memory_space<hbm>> -> memref<400x128xf32, #tpu.memory_space<hbm>>
    tpu.wait_dma2 semaphore(%arg12 : memref<!tpu.dma_semaphore, #tpu.memory_space<semaphore_mem>>) src(%arg8 : memref<400x128xf32, #tpu.memory_space<vmem>>) dst(%dma_wait3A_77 : memref<400x128xf32, #tpu.memory_space<hbm>>)
    %add3A_78 = arith.constant 2000 : i32
    %add3A_79 = arith.addi %mul3A_2, %add3A_78 : i32
    "tpu.region"() ({
      %run_scoped3A = tpu.sem_alloc : memref<!tpu.dma_semaphore, #tpu.memory_space<semaphore_mem>>
      %dma_start3A_289 = tpu.memref_slice %arg3[%add3A_79] : memref<204800xi32, #tpu.memory_space<hbm>> -> memref<400xi32, #tpu.memory_space<hbm>>
      %dma_start3A_290 = tpu.memref_slice %arg3[%add3A_79] : memref<204800xi32, #tpu.memory_space<hbm>> -> memref<400xi32, #tpu.memory_space<hbm>>
      tpu.enqueue_dma source(%dma_start3A_290 : memref<400xi32, #tpu.memory_space<hbm>>) target(%arg6 : memref<400xi32, #tpu.memory_space<vmem>>) target_semaphore(%run_scoped3A : memref<!tpu.dma_semaphore, #tpu.memory_space<semaphore_mem>>)
      %dma_wait3A_291 = tpu.memref_slice %arg3[%add3A_79] : memref<204800xi32, #tpu.memory_space<hbm>> -> memref<400xi32, #tpu.memory_space<hbm>>
      %dma_wait3A_292 = tpu.memref_slice %arg3[%add3A_79] : memref<204800xi32, #tpu.memory_space<hbm>> -> memref<400xi32, #tpu.memory_space<hbm>>
      tpu.wait_dma2 semaphore(%run_scoped3A : memref<!tpu.dma_semaphore, #tpu.memory_space<semaphore_mem>>) src(%dma_wait3A_292 : memref<400xi32, #tpu.memory_space<hbm>>) dst(%arg6 : memref<400xi32, #tpu.memory_space<vmem>>)
      tpu.yield
    }) : () -> ()
    %dma_start3A_80 = arith.constant 0 : i32
    %dma_start3A_81 = arith.constant 0 : i32
    %dma_start3A_82 = tpu.memref_slice %arg2[%dma_start3A_80, %dma_start3A_81] : memref<1000000x128xf32, #tpu.memory_space<hbm>> -> memref<1000000x128xf32, #tpu.memory_space<hbm>>
    tpu.enqueue_indirect_dma source(%dma_start3A_82 : memref<1000000x128xf32, #tpu.memory_space<hbm>>) target(%arg8 : memref<400x128xf32, #tpu.memory_space<vmem>>) offsets(%arg6 : memref<400xi32, #tpu.memory_space<vmem>>) semaphore(%arg10 : memref<!tpu.dma_semaphore, #tpu.memory_space<semaphore_mem>>)
    %dma_wait3A_83 = arith.constant 0 : i32
    %dma_wait3A_84 = arith.constant 0 : i32
    %dma_wait3A_85 = tpu.memref_slice %arg2[%dma_wait3A_83, %dma_wait3A_84] : memref<1000000x128xf32, #tpu.memory_space<hbm>> -> memref<1000000x128xf32, #tpu.memory_space<hbm>>
    tpu.wait_indirect_dma semaphore(%arg9 : memref<!tpu.dma_semaphore, #tpu.memory_space<semaphore_mem>>) src(%dma_wait3A_85 : memref<1000000x128xf32, #tpu.memory_space<hbm>>) dst(%arg7 : memref<400x128xf32, #tpu.memory_space<vmem>>)
    %add3A_86 = arith.constant 1600 : i32
    %add3A_87 = arith.addi %mul3A_2, %add3A_86 : i32
    %dma_start3A_88 = arith.constant 0 : i32
    %dma_start3A_89 = tpu.memref_slice %arg4[%add3A_87, %dma_start3A_88] : memref<204800x128xf32, #tpu.memory_space<hbm>> -> memref<400x128xf32, #tpu.memory_space<hbm>>
    %dma_start3A_90 = arith.constant 0 : i32
    %dma_start3A_91 = tpu.memref_slice %arg4[%add3A_87, %dma_start3A_90] : memref<204800x128xf32, #tpu.memory_space<hbm>> -> memref<400x128xf32, #tpu.memory_space<hbm>>
    tpu.enqueue_dma source(%arg7 : memref<400x128xf32, #tpu.memory_space<vmem>>) target(%dma_start3A_91 : memref<400x128xf32, #tpu.memory_space<hbm>>) target_semaphore(%arg11 : memref<!tpu.dma_semaphore, #tpu.memory_space<semaphore_mem>>)
    %dma_wait3A_92 = arith.constant 0 : i32
    %dma_wait3A_93 = tpu.memref_slice %arg4[%add3A_87, %dma_wait3A_92] : memref<204800x128xf32, #tpu.memory_space<hbm>> -> memref<400x128xf32, #tpu.memory_space<hbm>>
    %dma_wait3A_94 = arith.constant 0 : i32
    %dma_wait3A_95 = tpu.memref_slice %arg4[%add3A_87, %dma_wait3A_94] : memref<204800x128xf32, #tpu.memory_space<hbm>> -> memref<400x128xf32, #tpu.memory_space<hbm>>
    tpu.wait_dma2 semaphore(%arg11 : memref<!tpu.dma_semaphore, #tpu.memory_space<semaphore_mem>>) src(%arg7 : memref<400x128xf32, #tpu.memory_space<vmem>>) dst(%dma_wait3A_95 : memref<400x128xf32, #tpu.memory_space<hbm>>)
    %add3A_96 = arith.constant 2400 : i32
    %add3A_97 = arith.addi %mul3A_2, %add3A_96 : i32
    "tpu.region"() ({
      %run_scoped3A = tpu.sem_alloc : memref<!tpu.dma_semaphore, #tpu.memory_space<semaphore_mem>>
      %dma_start3A_289 = tpu.memref_slice %arg3[%add3A_97] : memref<204800xi32, #tpu.memory_space<hbm>> -> memref<400xi32, #tpu.memory_space<hbm>>
      %dma_start3A_290 = tpu.memref_slice %arg3[%add3A_97] : memref<204800xi32, #tpu.memory_space<hbm>> -> memref<400xi32, #tpu.memory_space<hbm>>
      tpu.enqueue_dma source(%dma_start3A_290 : memref<400xi32, #tpu.memory_space<hbm>>) target(%arg5 : memref<400xi32, #tpu.memory_space<vmem>>) target_semaphore(%run_scoped3A : memref<!tpu.dma_semaphore, #tpu.memory_space<semaphore_mem>>)
      %dma_wait3A_291 = tpu.memref_slice %arg3[%add3A_97] : memref<204800xi32, #tpu.memory_space<hbm>> -> memref<400xi32, #tpu.memory_space<hbm>>
      %dma_wait3A_292 = tpu.memref_slice %arg3[%add3A_97] : memref<204800xi32, #tpu.memory_space<hbm>> -> memref<400xi32, #tpu.memory_space<hbm>>
      tpu.wait_dma2 semaphore(%run_scoped3A : memref<!tpu.dma_semaphore, #tpu.memory_space<semaphore_mem>>) src(%dma_wait3A_292 : memref<400xi32, #tpu.memory_space<hbm>>) dst(%arg5 : memref<400xi32, #tpu.memory_space<vmem>>)
      tpu.yield
    }) : () -> ()
    %dma_start3A_98 = arith.constant 0 : i32
    %dma_start3A_99 = arith.constant 0 : i32
    %dma_start3A_100 = tpu.memref_slice %arg2[%dma_start3A_98, %dma_start3A_99] : memref<1000000x128xf32, #tpu.memory_space<hbm>> -> memref<1000000x128xf32, #tpu.memory_space<hbm>>
    tpu.enqueue_indirect_dma source(%dma_start3A_100 : memref<1000000x128xf32, #tpu.memory_space<hbm>>) target(%arg7 : memref<400x128xf32, #tpu.memory_space<vmem>>) offsets(%arg5 : memref<400xi32, #tpu.memory_space<vmem>>) semaphore(%arg9 : memref<!tpu.dma_semaphore, #tpu.memory_space<semaphore_mem>>)
    %dma_wait3A_101 = arith.constant 0 : i32
    %dma_wait3A_102 = arith.constant 0 : i32
    %dma_wait3A_103 = tpu.memref_slice %arg2[%dma_wait3A_101, %dma_wait3A_102] : memref<1000000x128xf32, #tpu.memory_space<hbm>> -> memref<1000000x128xf32, #tpu.memory_space<hbm>>
    tpu.wait_indirect_dma semaphore(%arg10 : memref<!tpu.dma_semaphore, #tpu.memory_space<semaphore_mem>>) src(%dma_wait3A_103 : memref<1000000x128xf32, #tpu.memory_space<hbm>>) dst(%arg8 : memref<400x128xf32, #tpu.memory_space<vmem>>)
    %add3A_104 = arith.constant 2000 : i32
    %add3A_105 = arith.addi %mul3A_2, %add3A_104 : i32
    %dma_start3A_106 = arith.constant 0 : i32
    %dma_start3A_107 = tpu.memref_slice %arg4[%add3A_105, %dma_start3A_106] : memref<204800x128xf32, #tpu.memory_space<hbm>> -> memref<400x128xf32, #tpu.memory_space<hbm>>
    %dma_start3A_108 = arith.constant 0 : i32
    %dma_start3A_109 = tpu.memref_slice %arg4[%add3A_105, %dma_start3A_108] : memref<204800x128xf32, #tpu.memory_space<hbm>> -> memref<400x128xf32, #tpu.memory_space<hbm>>
    tpu.enqueue_dma source(%arg8 : memref<400x128xf32, #tpu.memory_space<vmem>>) target(%dma_start3A_109 : memref<400x128xf32, #tpu.memory_space<hbm>>) target_semaphore(%arg12 : memref<!tpu.dma_semaphore, #tpu.memory_space<semaphore_mem>>)
    %dma_wait3A_110 = arith.constant 0 : i32
    %dma_wait3A_111 = tpu.memref_slice %arg4[%add3A_105, %dma_wait3A_110] : memref<204800x128xf32, #tpu.memory_space<hbm>> -> memref<400x128xf32, #tpu.memory_space<hbm>>
    %dma_wait3A_112 = arith.constant 0 : i32
    %dma_wait3A_113 = tpu.memref_slice %arg4[%add3A_105, %dma_wait3A_112] : memref<204800x128xf32, #tpu.memory_space<hbm>> -> memref<400x128xf32, #tpu.memory_space<hbm>>
    tpu.wait_dma2 semaphore(%arg12 : memref<!tpu.dma_semaphore, #tpu.memory_space<semaphore_mem>>) src(%arg8 : memref<400x128xf32, #tpu.memory_space<vmem>>) dst(%dma_wait3A_113 : memref<400x128xf32, #tpu.memory_space<hbm>>)
    %add3A_114 = arith.constant 2800 : i32
    %add3A_115 = arith.addi %mul3A_2, %add3A_114 : i32
    "tpu.region"() ({
      %run_scoped3A = tpu.sem_alloc : memref<!tpu.dma_semaphore, #tpu.memory_space<semaphore_mem>>
      %dma_start3A_289 = tpu.memref_slice %arg3[%add3A_115] : memref<204800xi32, #tpu.memory_space<hbm>> -> memref<400xi32, #tpu.memory_space<hbm>>
      %dma_start3A_290 = tpu.memref_slice %arg3[%add3A_115] : memref<204800xi32, #tpu.memory_space<hbm>> -> memref<400xi32, #tpu.memory_space<hbm>>
      tpu.enqueue_dma source(%dma_start3A_290 : memref<400xi32, #tpu.memory_space<hbm>>) target(%arg6 : memref<400xi32, #tpu.memory_space<vmem>>) target_semaphore(%run_scoped3A : memref<!tpu.dma_semaphore, #tpu.memory_space<semaphore_mem>>)
      %dma_wait3A_291 = tpu.memref_slice %arg3[%add3A_115] : memref<204800xi32, #tpu.memory_space<hbm>> -> memref<400xi32, #tpu.memory_space<hbm>>
      %dma_wait3A_292 = tpu.memref_slice %arg3[%add3A_115] : memref<204800xi32, #tpu.memory_space<hbm>> -> memref<400xi32, #tpu.memory_space<hbm>>
      tpu.wait_dma2 semaphore(%run_scoped3A : memref<!tpu.dma_semaphore, #tpu.memory_space<semaphore_mem>>) src(%dma_wait3A_292 : memref<400xi32, #tpu.memory_space<hbm>>) dst(%arg6 : memref<400xi32, #tpu.memory_space<vmem>>)
      tpu.yield
    }) : () -> ()
    %dma_start3A_116 = arith.constant 0 : i32
    %dma_start3A_117 = arith.constant 0 : i32
    %dma_start3A_118 = tpu.memref_slice %arg2[%dma_start3A_116, %dma_start3A_117] : memref<1000000x128xf32, #tpu.memory_space<hbm>> -> memref<1000000x128xf32, #tpu.memory_space<hbm>>
    tpu.enqueue_indirect_dma source(%dma_start3A_118 : memref<1000000x128xf32, #tpu.memory_space<hbm>>) target(%arg8 : memref<400x128xf32, #tpu.memory_space<vmem>>) offsets(%arg6 : memref<400xi32, #tpu.memory_space<vmem>>) semaphore(%arg10 : memref<!tpu.dma_semaphore, #tpu.memory_space<semaphore_mem>>)
    %dma_wait3A_119 = arith.constant 0 : i32
    %dma_wait3A_120 = arith.constant 0 : i32
    %dma_wait3A_121 = tpu.memref_slice %arg2[%dma_wait3A_119, %dma_wait3A_120] : memref<1000000x128xf32, #tpu.memory_space<hbm>> -> memref<1000000x128xf32, #tpu.memory_space<hbm>>
    tpu.wait_indirect_dma semaphore(%arg9 : memref<!tpu.dma_semaphore, #tpu.memory_space<semaphore_mem>>) src(%dma_wait3A_121 : memref<1000000x128xf32, #tpu.memory_space<hbm>>) dst(%arg7 : memref<400x128xf32, #tpu.memory_space<vmem>>)
    %add3A_122 = arith.constant 2400 : i32
    %add3A_123 = arith.addi %mul3A_2, %add3A_122 : i32
    %dma_start3A_124 = arith.constant 0 : i32
    %dma_start3A_125 = tpu.memref_slice %arg4[%add3A_123, %dma_start3A_124] : memref<204800x128xf32, #tpu.memory_space<hbm>> -> memref<400x128xf32, #tpu.memory_space<hbm>>
    %dma_start3A_126 = arith.constant 0 : i32
    %dma_start3A_127 = tpu.memref_slice %arg4[%add3A_123, %dma_start3A_126] : memref<204800x128xf32, #tpu.memory_space<hbm>> -> memref<400x128xf32, #tpu.memory_space<hbm>>
    tpu.enqueue_dma source(%arg7 : memref<400x128xf32, #tpu.memory_space<vmem>>) target(%dma_start3A_127 : memref<400x128xf32, #tpu.memory_space<hbm>>) target_semaphore(%arg11 : memref<!tpu.dma_semaphore, #tpu.memory_space<semaphore_mem>>)
    %dma_wait3A_128 = arith.constant 0 : i32
    %dma_wait3A_129 = tpu.memref_slice %arg4[%add3A_123, %dma_wait3A_128] : memref<204800x128xf32, #tpu.memory_space<hbm>> -> memref<400x128xf32, #tpu.memory_space<hbm>>
    %dma_wait3A_130 = arith.constant 0 : i32
    %dma_wait3A_131 = tpu.memref_slice %arg4[%add3A_123, %dma_wait3A_130] : memref<204800x128xf32, #tpu.memory_space<hbm>> -> memref<400x128xf32, #tpu.memory_space<hbm>>
    tpu.wait_dma2 semaphore(%arg11 : memref<!tpu.dma_semaphore, #tpu.memory_space<semaphore_mem>>) src(%arg7 : memref<400x128xf32, #tpu.memory_space<vmem>>) dst(%dma_wait3A_131 : memref<400x128xf32, #tpu.memory_space<hbm>>)
    %add3A_132 = arith.constant 3200 : i32
    %add3A_133 = arith.addi %mul3A_2, %add3A_132 : i32
    "tpu.region"() ({
      %run_scoped3A = tpu.sem_alloc : memref<!tpu.dma_semaphore, #tpu.memory_space<semaphore_mem>>
      %dma_start3A_289 = tpu.memref_slice %arg3[%add3A_133] : memref<204800xi32, #tpu.memory_space<hbm>> -> memref<400xi32, #tpu.memory_space<hbm>>
      %dma_start3A_290 = tpu.memref_slice %arg3[%add3A_133] : memref<204800xi32, #tpu.memory_space<hbm>> -> memref<400xi32, #tpu.memory_space<hbm>>
      tpu.enqueue_dma source(%dma_start3A_290 : memref<400xi32, #tpu.memory_space<hbm>>) target(%arg5 : memref<400xi32, #tpu.memory_space<vmem>>) target_semaphore(%run_scoped3A : memref<!tpu.dma_semaphore, #tpu.memory_space<semaphore_mem>>)
      %dma_wait3A_291 = tpu.memref_slice %arg3[%add3A_133] : memref<204800xi32, #tpu.memory_space<hbm>> -> memref<400xi32, #tpu.memory_space<hbm>>
      %dma_wait3A_292 = tpu.memref_slice %arg3[%add3A_133] : memref<204800xi32, #tpu.memory_space<hbm>> -> memref<400xi32, #tpu.memory_space<hbm>>
      tpu.wait_dma2 semaphore(%run_scoped3A : memref<!tpu.dma_semaphore, #tpu.memory_space<semaphore_mem>>) src(%dma_wait3A_292 : memref<400xi32, #tpu.memory_space<hbm>>) dst(%arg5 : memref<400xi32, #tpu.memory_space<vmem>>)
      tpu.yield
    }) : () -> ()
    %dma_start3A_134 = arith.constant 0 : i32
    %dma_start3A_135 = arith.constant 0 : i32
    %dma_start3A_136 = tpu.memref_slice %arg2[%dma_start3A_134, %dma_start3A_135] : memref<1000000x128xf32, #tpu.memory_space<hbm>> -> memref<1000000x128xf32, #tpu.memory_space<hbm>>
    tpu.enqueue_indirect_dma source(%dma_start3A_136 : memref<1000000x128xf32, #tpu.memory_space<hbm>>) target(%arg7 : memref<400x128xf32, #tpu.memory_space<vmem>>) offsets(%arg5 : memref<400xi32, #tpu.memory_space<vmem>>) semaphore(%arg9 : memref<!tpu.dma_semaphore, #tpu.memory_space<semaphore_mem>>)
    %dma_wait3A_137 = arith.constant 0 : i32
    %dma_wait3A_138 = arith.constant 0 : i32
    %dma_wait3A_139 = tpu.memref_slice %arg2[%dma_wait3A_137, %dma_wait3A_138] : memref<1000000x128xf32, #tpu.memory_space<hbm>> -> memref<1000000x128xf32, #tpu.memory_space<hbm>>
    tpu.wait_indirect_dma semaphore(%arg10 : memref<!tpu.dma_semaphore, #tpu.memory_space<semaphore_mem>>) src(%dma_wait3A_139 : memref<1000000x128xf32, #tpu.memory_space<hbm>>) dst(%arg8 : memref<400x128xf32, #tpu.memory_space<vmem>>)
    %add3A_140 = arith.constant 2800 : i32
    %add3A_141 = arith.addi %mul3A_2, %add3A_140 : i32
    %dma_start3A_142 = arith.constant 0 : i32
    %dma_start3A_143 = tpu.memref_slice %arg4[%add3A_141, %dma_start3A_142] : memref<204800x128xf32, #tpu.memory_space<hbm>> -> memref<400x128xf32, #tpu.memory_space<hbm>>
    %dma_start3A_144 = arith.constant 0 : i32
    %dma_start3A_145 = tpu.memref_slice %arg4[%add3A_141, %dma_start3A_144] : memref<204800x128xf32, #tpu.memory_space<hbm>> -> memref<400x128xf32, #tpu.memory_space<hbm>>
    tpu.enqueue_dma source(%arg8 : memref<400x128xf32, #tpu.memory_space<vmem>>) target(%dma_start3A_145 : memref<400x128xf32, #tpu.memory_space<hbm>>) target_semaphore(%arg12 : memref<!tpu.dma_semaphore, #tpu.memory_space<semaphore_mem>>)
    %dma_wait3A_146 = arith.constant 0 : i32
    %dma_wait3A_147 = tpu.memref_slice %arg4[%add3A_141, %dma_wait3A_146] : memref<204800x128xf32, #tpu.memory_space<hbm>> -> memref<400x128xf32, #tpu.memory_space<hbm>>
    %dma_wait3A_148 = arith.constant 0 : i32
    %dma_wait3A_149 = tpu.memref_slice %arg4[%add3A_141, %dma_wait3A_148] : memref<204800x128xf32, #tpu.memory_space<hbm>> -> memref<400x128xf32, #tpu.memory_space<hbm>>
    tpu.wait_dma2 semaphore(%arg12 : memref<!tpu.dma_semaphore, #tpu.memory_space<semaphore_mem>>) src(%arg8 : memref<400x128xf32, #tpu.memory_space<vmem>>) dst(%dma_wait3A_149 : memref<400x128xf32, #tpu.memory_space<hbm>>)
    %add3A_150 = arith.constant 3600 : i32
    %add3A_151 = arith.addi %mul3A_2, %add3A_150 : i32
    "tpu.region"() ({
      %run_scoped3A = tpu.sem_alloc : memref<!tpu.dma_semaphore, #tpu.memory_space<semaphore_mem>>
      %dma_start3A_289 = tpu.memref_slice %arg3[%add3A_151] : memref<204800xi32, #tpu.memory_space<hbm>> -> memref<400xi32, #tpu.memory_space<hbm>>
      %dma_start3A_290 = tpu.memref_slice %arg3[%add3A_151] : memref<204800xi32, #tpu.memory_space<hbm>> -> memref<400xi32, #tpu.memory_space<hbm>>
      tpu.enqueue_dma source(%dma_start3A_290 : memref<400xi32, #tpu.memory_space<hbm>>) target(%arg6 : memref<400xi32, #tpu.memory_space<vmem>>) target_semaphore(%run_scoped3A : memref<!tpu.dma_semaphore, #tpu.memory_space<semaphore_mem>>)
      %dma_wait3A_291 = tpu.memref_slice %arg3[%add3A_151] : memref<204800xi32, #tpu.memory_space<hbm>> -> memref<400xi32, #tpu.memory_space<hbm>>
      %dma_wait3A_292 = tpu.memref_slice %arg3[%add3A_151] : memref<204800xi32, #tpu.memory_space<hbm>> -> memref<400xi32, #tpu.memory_space<hbm>>
      tpu.wait_dma2 semaphore(%run_scoped3A : memref<!tpu.dma_semaphore, #tpu.memory_space<semaphore_mem>>) src(%dma_wait3A_292 : memref<400xi32, #tpu.memory_space<hbm>>) dst(%arg6 : memref<400xi32, #tpu.memory_space<vmem>>)
      tpu.yield
    }) : () -> ()
    %dma_start3A_152 = arith.constant 0 : i32
    %dma_start3A_153 = arith.constant 0 : i32
    %dma_start3A_154 = tpu.memref_slice %arg2[%dma_start3A_152, %dma_start3A_153] : memref<1000000x128xf32, #tpu.memory_space<hbm>> -> memref<1000000x128xf32, #tpu.memory_space<hbm>>
    tpu.enqueue_indirect_dma source(%dma_start3A_154 : memref<1000000x128xf32, #tpu.memory_space<hbm>>) target(%arg8 : memref<400x128xf32, #tpu.memory_space<vmem>>) offsets(%arg6 : memref<400xi32, #tpu.memory_space<vmem>>) semaphore(%arg10 : memref<!tpu.dma_semaphore, #tpu.memory_space<semaphore_mem>>)
    %dma_wait3A_155 = arith.constant 0 : i32
    %dma_wait3A_156 = arith.constant 0 : i32
    %dma_wait3A_157 = tpu.memref_slice %arg2[%dma_wait3A_155, %dma_wait3A_156] : memref<1000000x128xf32, #tpu.memory_space<hbm>> -> memref<1000000x128xf32, #tpu.memory_space<hbm>>
    tpu.wait_indirect_dma semaphore(%arg9 : memref<!tpu.dma_semaphore, #tpu.memory_space<semaphore_mem>>) src(%dma_wait3A_157 : memref<1000000x128xf32, #tpu.memory_space<hbm>>) dst(%arg7 : memref<400x128xf32, #tpu.memory_space<vmem>>)
    %add3A_158 = arith.constant 3200 : i32
    %add3A_159 = arith.addi %mul3A_2, %add3A_158 : i32
    %dma_start3A_160 = arith.constant 0 : i32
    %dma_start3A_161 = tpu.memref_slice %arg4[%add3A_159, %dma_start3A_160] : memref<204800x128xf32, #tpu.memory_space<hbm>> -> memref<400x128xf32, #tpu.memory_space<hbm>>
    %dma_start3A_162 = arith.constant 0 : i32
    %dma_start3A_163 = tpu.memref_slice %arg4[%add3A_159, %dma_start3A_162] : memref<204800x128xf32, #tpu.memory_space<hbm>> -> memref<400x128xf32, #tpu.memory_space<hbm>>
    tpu.enqueue_dma source(%arg7 : memref<400x128xf32, #tpu.memory_space<vmem>>) target(%dma_start3A_163 : memref<400x128xf32, #tpu.memory_space<hbm>>) target_semaphore(%arg11 : memref<!tpu.dma_semaphore, #tpu.memory_space<semaphore_mem>>)
    %dma_wait3A_164 = arith.constant 0 : i32
    %dma_wait3A_165 = tpu.memref_slice %arg4[%add3A_159, %dma_wait3A_164] : memref<204800x128xf32, #tpu.memory_space<hbm>> -> memref<400x128xf32, #tpu.memory_space<hbm>>
    %dma_wait3A_166 = arith.constant 0 : i32
    %dma_wait3A_167 = tpu.memref_slice %arg4[%add3A_159, %dma_wait3A_166] : memref<204800x128xf32, #tpu.memory_space<hbm>> -> memref<400x128xf32, #tpu.memory_space<hbm>>
    tpu.wait_dma2 semaphore(%arg11 : memref<!tpu.dma_semaphore, #tpu.memory_space<semaphore_mem>>) src(%arg7 : memref<400x128xf32, #tpu.memory_space<vmem>>) dst(%dma_wait3A_167 : memref<400x128xf32, #tpu.memory_space<hbm>>)
    %add3A_168 = arith.constant 4000 : i32
    %add3A_169 = arith.addi %mul3A_2, %add3A_168 : i32
    "tpu.region"() ({
      %run_scoped3A = tpu.sem_alloc : memref<!tpu.dma_semaphore, #tpu.memory_space<semaphore_mem>>
      %dma_start3A_289 = tpu.memref_slice %arg3[%add3A_169] : memref<204800xi32, #tpu.memory_space<hbm>> -> memref<400xi32, #tpu.memory_space<hbm>>
      %dma_start3A_290 = tpu.memref_slice %arg3[%add3A_169] : memref<204800xi32, #tpu.memory_space<hbm>> -> memref<400xi32, #tpu.memory_space<hbm>>
      tpu.enqueue_dma source(%dma_start3A_290 : memref<400xi32, #tpu.memory_space<hbm>>) target(%arg5 : memref<400xi32, #tpu.memory_space<vmem>>) target_semaphore(%run_scoped3A : memref<!tpu.dma_semaphore, #tpu.memory_space<semaphore_mem>>)
      %dma_wait3A_291 = tpu.memref_slice %arg3[%add3A_169] : memref<204800xi32, #tpu.memory_space<hbm>> -> memref<400xi32, #tpu.memory_space<hbm>>
      %dma_wait3A_292 = tpu.memref_slice %arg3[%add3A_169] : memref<204800xi32, #tpu.memory_space<hbm>> -> memref<400xi32, #tpu.memory_space<hbm>>
      tpu.wait_dma2 semaphore(%run_scoped3A : memref<!tpu.dma_semaphore, #tpu.memory_space<semaphore_mem>>) src(%dma_wait3A_292 : memref<400xi32, #tpu.memory_space<hbm>>) dst(%arg5 : memref<400xi32, #tpu.memory_space<vmem>>)
      tpu.yield
    }) : () -> ()
    %dma_start3A_170 = arith.constant 0 : i32
    %dma_start3A_171 = arith.constant 0 : i32
    %dma_start3A_172 = tpu.memref_slice %arg2[%dma_start3A_170, %dma_start3A_171] : memref<1000000x128xf32, #tpu.memory_space<hbm>> -> memref<1000000x128xf32, #tpu.memory_space<hbm>>
    tpu.enqueue_indirect_dma source(%dma_start3A_172 : memref<1000000x128xf32, #tpu.memory_space<hbm>>) target(%arg7 : memref<400x128xf32, #tpu.memory_space<vmem>>) offsets(%arg5 : memref<400xi32, #tpu.memory_space<vmem>>) semaphore(%arg9 : memref<!tpu.dma_semaphore, #tpu.memory_space<semaphore_mem>>)
    %dma_wait3A_173 = arith.constant 0 : i32
    %dma_wait3A_174 = arith.constant 0 : i32
    %dma_wait3A_175 = tpu.memref_slice %arg2[%dma_wait3A_173, %dma_wait3A_174] : memref<1000000x128xf32, #tpu.memory_space<hbm>> -> memref<1000000x128xf32, #tpu.memory_space<hbm>>
    tpu.wait_indirect_dma semaphore(%arg10 : memref<!tpu.dma_semaphore, #tpu.memory_space<semaphore_mem>>) src(%dma_wait3A_175 : memref<1000000x128xf32, #tpu.memory_space<hbm>>) dst(%arg8 : memref<400x128xf32, #tpu.memory_space<vmem>>)
    %add3A_176 = arith.constant 3600 : i32
    %add3A_177 = arith.addi %mul3A_2, %add3A_176 : i32
    %dma_start3A_178 = arith.constant 0 : i32
    %dma_start3A_179 = tpu.memref_slice %arg4[%add3A_177, %dma_start3A_178] : memref<204800x128xf32, #tpu.memory_space<hbm>> -> memref<400x128xf32, #tpu.memory_space<hbm>>
    %dma_start3A_180 = arith.constant 0 : i32
    %dma_start3A_181 = tpu.memref_slice %arg4[%add3A_177, %dma_start3A_180] : memref<204800x128xf32, #tpu.memory_space<hbm>> -> memref<400x128xf32, #tpu.memory_space<hbm>>
    tpu.enqueue_dma source(%arg8 : memref<400x128xf32, #tpu.memory_space<vmem>>) target(%dma_start3A_181 : memref<400x128xf32, #tpu.memory_space<hbm>>) target_semaphore(%arg12 : memref<!tpu.dma_semaphore, #tpu.memory_space<semaphore_mem>>)
    %dma_wait3A_182 = arith.constant 0 : i32
    %dma_wait3A_183 = tpu.memref_slice %arg4[%add3A_177, %dma_wait3A_182] : memref<204800x128xf32, #tpu.memory_space<hbm>> -> memref<400x128xf32, #tpu.memory_space<hbm>>
    %dma_wait3A_184 = arith.constant 0 : i32
    %dma_wait3A_185 = tpu.memref_slice %arg4[%add3A_177, %dma_wait3A_184] : memref<204800x128xf32, #tpu.memory_space<hbm>> -> memref<400x128xf32, #tpu.memory_space<hbm>>
    tpu.wait_dma2 semaphore(%arg12 : memref<!tpu.dma_semaphore, #tpu.memory_space<semaphore_mem>>) src(%arg8 : memref<400x128xf32, #tpu.memory_space<vmem>>) dst(%dma_wait3A_185 : memref<400x128xf32, #tpu.memory_space<hbm>>)
    %add3A_186 = arith.constant 4400 : i32
    %add3A_187 = arith.addi %mul3A_2, %add3A_186 : i32
    "tpu.region"() ({
      %run_scoped3A = tpu.sem_alloc : memref<!tpu.dma_semaphore, #tpu.memory_space<semaphore_mem>>
      %dma_start3A_289 = tpu.memref_slice %arg3[%add3A_187] : memref<204800xi32, #tpu.memory_space<hbm>> -> memref<400xi32, #tpu.memory_space<hbm>>
      %dma_start3A_290 = tpu.memref_slice %arg3[%add3A_187] : memref<204800xi32, #tpu.memory_space<hbm>> -> memref<400xi32, #tpu.memory_space<hbm>>
      tpu.enqueue_dma source(%dma_start3A_290 : memref<400xi32, #tpu.memory_space<hbm>>) target(%arg6 : memref<400xi32, #tpu.memory_space<vmem>>) target_semaphore(%run_scoped3A : memref<!tpu.dma_semaphore, #tpu.memory_space<semaphore_mem>>)
      %dma_wait3A_291 = tpu.memref_slice %arg3[%add3A_187] : memref<204800xi32, #tpu.memory_space<hbm>> -> memref<400xi32, #tpu.memory_space<hbm>>
      %dma_wait3A_292 = tpu.memref_slice %arg3[%add3A_187] : memref<204800xi32, #tpu.memory_space<hbm>> -> memref<400xi32, #tpu.memory_space<hbm>>
      tpu.wait_dma2 semaphore(%run_scoped3A : memref<!tpu.dma_semaphore, #tpu.memory_space<semaphore_mem>>) src(%dma_wait3A_292 : memref<400xi32, #tpu.memory_space<hbm>>) dst(%arg6 : memref<400xi32, #tpu.memory_space<vmem>>)
      tpu.yield
    }) : () -> ()
    %dma_start3A_188 = arith.constant 0 : i32
    %dma_start3A_189 = arith.constant 0 : i32
    %dma_start3A_190 = tpu.memref_slice %arg2[%dma_start3A_188, %dma_start3A_189] : memref<1000000x128xf32, #tpu.memory_space<hbm>> -> memref<1000000x128xf32, #tpu.memory_space<hbm>>
    tpu.enqueue_indirect_dma source(%dma_start3A_190 : memref<1000000x128xf32, #tpu.memory_space<hbm>>) target(%arg8 : memref<400x128xf32, #tpu.memory_space<vmem>>) offsets(%arg6 : memref<400xi32, #tpu.memory_space<vmem>>) semaphore(%arg10 : memref<!tpu.dma_semaphore, #tpu.memory_space<semaphore_mem>>)
    %dma_wait3A_191 = arith.constant 0 : i32
    %dma_wait3A_192 = arith.constant 0 : i32
    %dma_wait3A_193 = tpu.memref_slice %arg2[%dma_wait3A_191, %dma_wait3A_192] : memref<1000000x128xf32, #tpu.memory_space<hbm>> -> memref<1000000x128xf32, #tpu.memory_space<hbm>>
    tpu.wait_indirect_dma semaphore(%arg9 : memref<!tpu.dma_semaphore, #tpu.memory_space<semaphore_mem>>) src(%dma_wait3A_193 : memref<1000000x128xf32, #tpu.memory_space<hbm>>) dst(%arg7 : memref<400x128xf32, #tpu.memory_space<vmem>>)
    %add3A_194 = arith.constant 4000 : i32
    %add3A_195 = arith.addi %mul3A_2, %add3A_194 : i32
    %dma_start3A_196 = arith.constant 0 : i32
    %dma_start3A_197 = tpu.memref_slice %arg4[%add3A_195, %dma_start3A_196] : memref<204800x128xf32, #tpu.memory_space<hbm>> -> memref<400x128xf32, #tpu.memory_space<hbm>>
    %dma_start3A_198 = arith.constant 0 : i32
    %dma_start3A_199 = tpu.memref_slice %arg4[%add3A_195, %dma_start3A_198] : memref<204800x128xf32, #tpu.memory_space<hbm>> -> memref<400x128xf32, #tpu.memory_space<hbm>>
    tpu.enqueue_dma source(%arg7 : memref<400x128xf32, #tpu.memory_space<vmem>>) target(%dma_start3A_199 : memref<400x128xf32, #tpu.memory_space<hbm>>) target_semaphore(%arg11 : memref<!tpu.dma_semaphore, #tpu.memory_space<semaphore_mem>>)
    %dma_wait3A_200 = arith.constant 0 : i32
    %dma_wait3A_201 = tpu.memref_slice %arg4[%add3A_195, %dma_wait3A_200] : memref<204800x128xf32, #tpu.memory_space<hbm>> -> memref<400x128xf32, #tpu.memory_space<hbm>>
    %dma_wait3A_202 = arith.constant 0 : i32
    %dma_wait3A_203 = tpu.memref_slice %arg4[%add3A_195, %dma_wait3A_202] : memref<204800x128xf32, #tpu.memory_space<hbm>> -> memref<400x128xf32, #tpu.memory_space<hbm>>
    tpu.wait_dma2 semaphore(%arg11 : memref<!tpu.dma_semaphore, #tpu.memory_space<semaphore_mem>>) src(%arg7 : memref<400x128xf32, #tpu.memory_space<vmem>>) dst(%dma_wait3A_203 : memref<400x128xf32, #tpu.memory_space<hbm>>)
    %add3A_204 = arith.constant 4800 : i32
    %add3A_205 = arith.addi %mul3A_2, %add3A_204 : i32
    "tpu.region"() ({
      %run_scoped3A = tpu.sem_alloc : memref<!tpu.dma_semaphore, #tpu.memory_space<semaphore_mem>>
      %dma_start3A_289 = tpu.memref_slice %arg3[%add3A_205] : memref<204800xi32, #tpu.memory_space<hbm>> -> memref<400xi32, #tpu.memory_space<hbm>>
      %dma_start3A_290 = tpu.memref_slice %arg3[%add3A_205] : memref<204800xi32, #tpu.memory_space<hbm>> -> memref<400xi32, #tpu.memory_space<hbm>>
      tpu.enqueue_dma source(%dma_start3A_290 : memref<400xi32, #tpu.memory_space<hbm>>) target(%arg5 : memref<400xi32, #tpu.memory_space<vmem>>) target_semaphore(%run_scoped3A : memref<!tpu.dma_semaphore, #tpu.memory_space<semaphore_mem>>)
      %dma_wait3A_291 = tpu.memref_slice %arg3[%add3A_205] : memref<204800xi32, #tpu.memory_space<hbm>> -> memref<400xi32, #tpu.memory_space<hbm>>
      %dma_wait3A_292 = tpu.memref_slice %arg3[%add3A_205] : memref<204800xi32, #tpu.memory_space<hbm>> -> memref<400xi32, #tpu.memory_space<hbm>>
      tpu.wait_dma2 semaphore(%run_scoped3A : memref<!tpu.dma_semaphore, #tpu.memory_space<semaphore_mem>>) src(%dma_wait3A_292 : memref<400xi32, #tpu.memory_space<hbm>>) dst(%arg5 : memref<400xi32, #tpu.memory_space<vmem>>)
      tpu.yield
    }) : () -> ()
    %dma_start3A_206 = arith.constant 0 : i32
    %dma_start3A_207 = arith.constant 0 : i32
    %dma_start3A_208 = tpu.memref_slice %arg2[%dma_start3A_206, %dma_start3A_207] : memref<1000000x128xf32, #tpu.memory_space<hbm>> -> memref<1000000x128xf32, #tpu.memory_space<hbm>>
    tpu.enqueue_indirect_dma source(%dma_start3A_208 : memref<1000000x128xf32, #tpu.memory_space<hbm>>) target(%arg7 : memref<400x128xf32, #tpu.memory_space<vmem>>) offsets(%arg5 : memref<400xi32, #tpu.memory_space<vmem>>) semaphore(%arg9 : memref<!tpu.dma_semaphore, #tpu.memory_space<semaphore_mem>>)
    %dma_wait3A_209 = arith.constant 0 : i32
    %dma_wait3A_210 = arith.constant 0 : i32
    %dma_wait3A_211 = tpu.memref_slice %arg2[%dma_wait3A_209, %dma_wait3A_210] : memref<1000000x128xf32, #tpu.memory_space<hbm>> -> memref<1000000x128xf32, #tpu.memory_space<hbm>>
    tpu.wait_indirect_dma semaphore(%arg10 : memref<!tpu.dma_semaphore, #tpu.memory_space<semaphore_mem>>) src(%dma_wait3A_211 : memref<1000000x128xf32, #tpu.memory_space<hbm>>) dst(%arg8 : memref<400x128xf32, #tpu.memory_space<vmem>>)
    %add3A_212 = arith.constant 4400 : i32
    %add3A_213 = arith.addi %mul3A_2, %add3A_212 : i32
    %dma_start3A_214 = arith.constant 0 : i32
    %dma_start3A_215 = tpu.memref_slice %arg4[%add3A_213, %dma_start3A_214] : memref<204800x128xf32, #tpu.memory_space<hbm>> -> memref<400x128xf32, #tpu.memory_space<hbm>>
    %dma_start3A_216 = arith.constant 0 : i32
    %dma_start3A_217 = tpu.memref_slice %arg4[%add3A_213, %dma_start3A_216] : memref<204800x128xf32, #tpu.memory_space<hbm>> -> memref<400x128xf32, #tpu.memory_space<hbm>>
    tpu.enqueue_dma source(%arg8 : memref<400x128xf32, #tpu.memory_space<vmem>>) target(%dma_start3A_217 : memref<400x128xf32, #tpu.memory_space<hbm>>) target_semaphore(%arg12 : memref<!tpu.dma_semaphore, #tpu.memory_space<semaphore_mem>>)
    %dma_wait3A_218 = arith.constant 0 : i32
    %dma_wait3A_219 = tpu.memref_slice %arg4[%add3A_213, %dma_wait3A_218] : memref<204800x128xf32, #tpu.memory_space<hbm>> -> memref<400x128xf32, #tpu.memory_space<hbm>>
    %dma_wait3A_220 = arith.constant 0 : i32
    %dma_wait3A_221 = tpu.memref_slice %arg4[%add3A_213, %dma_wait3A_220] : memref<204800x128xf32, #tpu.memory_space<hbm>> -> memref<400x128xf32, #tpu.memory_space<hbm>>
    tpu.wait_dma2 semaphore(%arg12 : memref<!tpu.dma_semaphore, #tpu.memory_space<semaphore_mem>>) src(%arg8 : memref<400x128xf32, #tpu.memory_space<vmem>>) dst(%dma_wait3A_221 : memref<400x128xf32, #tpu.memory_space<hbm>>)
    %add3A_222 = arith.constant 5200 : i32
    %add3A_223 = arith.addi %mul3A_2, %add3A_222 : i32
    "tpu.region"() ({
      %run_scoped3A = tpu.sem_alloc : memref<!tpu.dma_semaphore, #tpu.memory_space<semaphore_mem>>
      %dma_start3A_289 = tpu.memref_slice %arg3[%add3A_223] : memref<204800xi32, #tpu.memory_space<hbm>> -> memref<400xi32, #tpu.memory_space<hbm>>
      %dma_start3A_290 = tpu.memref_slice %arg3[%add3A_223] : memref<204800xi32, #tpu.memory_space<hbm>> -> memref<400xi32, #tpu.memory_space<hbm>>
      tpu.enqueue_dma source(%dma_start3A_290 : memref<400xi32, #tpu.memory_space<hbm>>) target(%arg6 : memref<400xi32, #tpu.memory_space<vmem>>) target_semaphore(%run_scoped3A : memref<!tpu.dma_semaphore, #tpu.memory_space<semaphore_mem>>)
      %dma_wait3A_291 = tpu.memref_slice %arg3[%add3A_223] : memref<204800xi32, #tpu.memory_space<hbm>> -> memref<400xi32, #tpu.memory_space<hbm>>
      %dma_wait3A_292 = tpu.memref_slice %arg3[%add3A_223] : memref<204800xi32, #tpu.memory_space<hbm>> -> memref<400xi32, #tpu.memory_space<hbm>>
      tpu.wait_dma2 semaphore(%run_scoped3A : memref<!tpu.dma_semaphore, #tpu.memory_space<semaphore_mem>>) src(%dma_wait3A_292 : memref<400xi32, #tpu.memory_space<hbm>>) dst(%arg6 : memref<400xi32, #tpu.memory_space<vmem>>)
      tpu.yield
    }) : () -> ()
    %dma_start3A_224 = arith.constant 0 : i32
    %dma_start3A_225 = arith.constant 0 : i32
    %dma_start3A_226 = tpu.memref_slice %arg2[%dma_start3A_224, %dma_start3A_225] : memref<1000000x128xf32, #tpu.memory_space<hbm>> -> memref<1000000x128xf32, #tpu.memory_space<hbm>>
    tpu.enqueue_indirect_dma source(%dma_start3A_226 : memref<1000000x128xf32, #tpu.memory_space<hbm>>) target(%arg8 : memref<400x128xf32, #tpu.memory_space<vmem>>) offsets(%arg6 : memref<400xi32, #tpu.memory_space<vmem>>) semaphore(%arg10 : memref<!tpu.dma_semaphore, #tpu.memory_space<semaphore_mem>>)
    %dma_wait3A_227 = arith.constant 0 : i32
    %dma_wait3A_228 = arith.constant 0 : i32
    %dma_wait3A_229 = tpu.memref_slice %arg2[%dma_wait3A_227, %dma_wait3A_228] : memref<1000000x128xf32, #tpu.memory_space<hbm>> -> memref<1000000x128xf32, #tpu.memory_space<hbm>>
    tpu.wait_indirect_dma semaphore(%arg9 : memref<!tpu.dma_semaphore, #tpu.memory_space<semaphore_mem>>) src(%dma_wait3A_229 : memref<1000000x128xf32, #tpu.memory_space<hbm>>) dst(%arg7 : memref<400x128xf32, #tpu.memory_space<vmem>>)
    %add3A_230 = arith.constant 4800 : i32
    %add3A_231 = arith.addi %mul3A_2, %add3A_230 : i32
    %dma_start3A_232 = arith.constant 0 : i32
    %dma_start3A_233 = tpu.memref_slice %arg4[%add3A_231, %dma_start3A_232] : memref<204800x128xf32, #tpu.memory_space<hbm>> -> memref<400x128xf32, #tpu.memory_space<hbm>>
    %dma_start3A_234 = arith.constant 0 : i32
    %dma_start3A_235 = tpu.memref_slice %arg4[%add3A_231, %dma_start3A_234] : memref<204800x128xf32, #tpu.memory_space<hbm>> -> memref<400x128xf32, #tpu.memory_space<hbm>>
    tpu.enqueue_dma source(%arg7 : memref<400x128xf32, #tpu.memory_space<vmem>>) target(%dma_start3A_235 : memref<400x128xf32, #tpu.memory_space<hbm>>) target_semaphore(%arg11 : memref<!tpu.dma_semaphore, #tpu.memory_space<semaphore_mem>>)
    %dma_wait3A_236 = arith.constant 0 : i32
    %dma_wait3A_237 = tpu.memref_slice %arg4[%add3A_231, %dma_wait3A_236] : memref<204800x128xf32, #tpu.memory_space<hbm>> -> memref<400x128xf32, #tpu.memory_space<hbm>>
    %dma_wait3A_238 = arith.constant 0 : i32
    %dma_wait3A_239 = tpu.memref_slice %arg4[%add3A_231, %dma_wait3A_238] : memref<204800x128xf32, #tpu.memory_space<hbm>> -> memref<400x128xf32, #tpu.memory_space<hbm>>
    tpu.wait_dma2 semaphore(%arg11 : memref<!tpu.dma_semaphore, #tpu.memory_space<semaphore_mem>>) src(%arg7 : memref<400x128xf32, #tpu.memory_space<vmem>>) dst(%dma_wait3A_239 : memref<400x128xf32, #tpu.memory_space<hbm>>)
    %add3A_240 = arith.constant 5600 : i32
    %add3A_241 = arith.addi %mul3A_2, %add3A_240 : i32
    "tpu.region"() ({
      %run_scoped3A = tpu.sem_alloc : memref<!tpu.dma_semaphore, #tpu.memory_space<semaphore_mem>>
      %dma_start3A_289 = tpu.memref_slice %arg3[%add3A_241] : memref<204800xi32, #tpu.memory_space<hbm>> -> memref<400xi32, #tpu.memory_space<hbm>>
      %dma_start3A_290 = tpu.memref_slice %arg3[%add3A_241] : memref<204800xi32, #tpu.memory_space<hbm>> -> memref<400xi32, #tpu.memory_space<hbm>>
      tpu.enqueue_dma source(%dma_start3A_290 : memref<400xi32, #tpu.memory_space<hbm>>) target(%arg5 : memref<400xi32, #tpu.memory_space<vmem>>) target_semaphore(%run_scoped3A : memref<!tpu.dma_semaphore, #tpu.memory_space<semaphore_mem>>)
      %dma_wait3A_291 = tpu.memref_slice %arg3[%add3A_241] : memref<204800xi32, #tpu.memory_space<hbm>> -> memref<400xi32, #tpu.memory_space<hbm>>
      %dma_wait3A_292 = tpu.memref_slice %arg3[%add3A_241] : memref<204800xi32, #tpu.memory_space<hbm>> -> memref<400xi32, #tpu.memory_space<hbm>>
      tpu.wait_dma2 semaphore(%run_scoped3A : memref<!tpu.dma_semaphore, #tpu.memory_space<semaphore_mem>>) src(%dma_wait3A_292 : memref<400xi32, #tpu.memory_space<hbm>>) dst(%arg5 : memref<400xi32, #tpu.memory_space<vmem>>)
      tpu.yield
    }) : () -> ()
    %dma_start3A_242 = arith.constant 0 : i32
    %dma_start3A_243 = arith.constant 0 : i32
    %dma_start3A_244 = tpu.memref_slice %arg2[%dma_start3A_242, %dma_start3A_243] : memref<1000000x128xf32, #tpu.memory_space<hbm>> -> memref<1000000x128xf32, #tpu.memory_space<hbm>>
    tpu.enqueue_indirect_dma source(%dma_start3A_244 : memref<1000000x128xf32, #tpu.memory_space<hbm>>) target(%arg7 : memref<400x128xf32, #tpu.memory_space<vmem>>) offsets(%arg5 : memref<400xi32, #tpu.memory_space<vmem>>) semaphore(%arg9 : memref<!tpu.dma_semaphore, #tpu.memory_space<semaphore_mem>>)
    %dma_wait3A_245 = arith.constant 0 : i32
    %dma_wait3A_246 = arith.constant 0 : i32
    %dma_wait3A_247 = tpu.memref_slice %arg2[%dma_wait3A_245, %dma_wait3A_246] : memref<1000000x128xf32, #tpu.memory_space<hbm>> -> memref<1000000x128xf32, #tpu.memory_space<hbm>>
    tpu.wait_indirect_dma semaphore(%arg10 : memref<!tpu.dma_semaphore, #tpu.memory_space<semaphore_mem>>) src(%dma_wait3A_247 : memref<1000000x128xf32, #tpu.memory_space<hbm>>) dst(%arg8 : memref<400x128xf32, #tpu.memory_space<vmem>>)
    %add3A_248 = arith.constant 5200 : i32
    %add3A_249 = arith.addi %mul3A_2, %add3A_248 : i32
    %dma_start3A_250 = arith.constant 0 : i32
    %dma_start3A_251 = tpu.memref_slice %arg4[%add3A_249, %dma_start3A_250] : memref<204800x128xf32, #tpu.memory_space<hbm>> -> memref<400x128xf32, #tpu.memory_space<hbm>>
    %dma_start3A_252 = arith.constant 0 : i32
    %dma_start3A_253 = tpu.memref_slice %arg4[%add3A_249, %dma_start3A_252] : memref<204800x128xf32, #tpu.memory_space<hbm>> -> memref<400x128xf32, #tpu.memory_space<hbm>>
    tpu.enqueue_dma source(%arg8 : memref<400x128xf32, #tpu.memory_space<vmem>>) target(%dma_start3A_253 : memref<400x128xf32, #tpu.memory_space<hbm>>) target_semaphore(%arg12 : memref<!tpu.dma_semaphore, #tpu.memory_space<semaphore_mem>>)
    %dma_wait3A_254 = arith.constant 0 : i32
    %dma_wait3A_255 = tpu.memref_slice %arg4[%add3A_249, %dma_wait3A_254] : memref<204800x128xf32, #tpu.memory_space<hbm>> -> memref<400x128xf32, #tpu.memory_space<hbm>>
    %dma_wait3A_256 = arith.constant 0 : i32
    %dma_wait3A_257 = tpu.memref_slice %arg4[%add3A_249, %dma_wait3A_256] : memref<204800x128xf32, #tpu.memory_space<hbm>> -> memref<400x128xf32, #tpu.memory_space<hbm>>
    tpu.wait_dma2 semaphore(%arg12 : memref<!tpu.dma_semaphore, #tpu.memory_space<semaphore_mem>>) src(%arg8 : memref<400x128xf32, #tpu.memory_space<vmem>>) dst(%dma_wait3A_257 : memref<400x128xf32, #tpu.memory_space<hbm>>)
    %add3A_258 = arith.constant 6000 : i32
    %add3A_259 = arith.addi %mul3A_2, %add3A_258 : i32
    "tpu.region"() ({
      %run_scoped3A = tpu.sem_alloc : memref<!tpu.dma_semaphore, #tpu.memory_space<semaphore_mem>>
      %dma_start3A_289 = tpu.memref_slice %arg3[%add3A_259] : memref<204800xi32, #tpu.memory_space<hbm>> -> memref<400xi32, #tpu.memory_space<hbm>>
      %dma_start3A_290 = tpu.memref_slice %arg3[%add3A_259] : memref<204800xi32, #tpu.memory_space<hbm>> -> memref<400xi32, #tpu.memory_space<hbm>>
      tpu.enqueue_dma source(%dma_start3A_290 : memref<400xi32, #tpu.memory_space<hbm>>) target(%arg6 : memref<400xi32, #tpu.memory_space<vmem>>) target_semaphore(%run_scoped3A : memref<!tpu.dma_semaphore, #tpu.memory_space<semaphore_mem>>)
      %dma_wait3A_291 = tpu.memref_slice %arg3[%add3A_259] : memref<204800xi32, #tpu.memory_space<hbm>> -> memref<400xi32, #tpu.memory_space<hbm>>
      %dma_wait3A_292 = tpu.memref_slice %arg3[%add3A_259] : memref<204800xi32, #tpu.memory_space<hbm>> -> memref<400xi32, #tpu.memory_space<hbm>>
      tpu.wait_dma2 semaphore(%run_scoped3A : memref<!tpu.dma_semaphore, #tpu.memory_space<semaphore_mem>>) src(%dma_wait3A_292 : memref<400xi32, #tpu.memory_space<hbm>>) dst(%arg6 : memref<400xi32, #tpu.memory_space<vmem>>)
      tpu.yield
    }) : () -> ()
    %dma_start3A_260 = arith.constant 0 : i32
    %dma_start3A_261 = arith.constant 0 : i32
    %dma_start3A_262 = tpu.memref_slice %arg2[%dma_start3A_260, %dma_start3A_261] : memref<1000000x128xf32, #tpu.memory_space<hbm>> -> memref<1000000x128xf32, #tpu.memory_space<hbm>>
    tpu.enqueue_indirect_dma source(%dma_start3A_262 : memref<1000000x128xf32, #tpu.memory_space<hbm>>) target(%arg8 : memref<400x128xf32, #tpu.memory_space<vmem>>) offsets(%arg6 : memref<400xi32, #tpu.memory_space<vmem>>) semaphore(%arg10 : memref<!tpu.dma_semaphore, #tpu.memory_space<semaphore_mem>>)
    %dma_wait3A_263 = arith.constant 0 : i32
    %dma_wait3A_264 = arith.constant 0 : i32
    %dma_wait3A_265 = tpu.memref_slice %arg2[%dma_wait3A_263, %dma_wait3A_264] : memref<1000000x128xf32, #tpu.memory_space<hbm>> -> memref<1000000x128xf32, #tpu.memory_space<hbm>>
    tpu.wait_indirect_dma semaphore(%arg9 : memref<!tpu.dma_semaphore, #tpu.memory_space<semaphore_mem>>) src(%dma_wait3A_265 : memref<1000000x128xf32, #tpu.memory_space<hbm>>) dst(%arg7 : memref<400x128xf32, #tpu.memory_space<vmem>>)
    %add3A_266 = arith.constant 5600 : i32
    %add3A_267 = arith.addi %mul3A_2, %add3A_266 : i32
    %dma_start3A_268 = arith.constant 0 : i32
    %dma_start3A_269 = tpu.memref_slice %arg4[%add3A_267, %dma_start3A_268] : memref<204800x128xf32, #tpu.memory_space<hbm>> -> memref<400x128xf32, #tpu.memory_space<hbm>>
    %dma_start3A_270 = arith.constant 0 : i32
    %dma_start3A_271 = tpu.memref_slice %arg4[%add3A_267, %dma_start3A_270] : memref<204800x128xf32, #tpu.memory_space<hbm>> -> memref<400x128xf32, #tpu.memory_space<hbm>>
    tpu.enqueue_dma source(%arg7 : memref<400x128xf32, #tpu.memory_space<vmem>>) target(%dma_start3A_271 : memref<400x128xf32, #tpu.memory_space<hbm>>) target_semaphore(%arg11 : memref<!tpu.dma_semaphore, #tpu.memory_space<semaphore_mem>>)
    %dma_wait3A_272 = arith.constant 0 : i32
    %dma_wait3A_273 = arith.constant 0 : i32
    %dma_wait3A_274 = tpu.memref_slice %arg2[%dma_wait3A_272, %dma_wait3A_273] : memref<1000000x128xf32, #tpu.memory_space<hbm>> -> memref<1000000x128xf32, #tpu.memory_space<hbm>>
    tpu.wait_indirect_dma semaphore(%arg10 : memref<!tpu.dma_semaphore, #tpu.memory_space<semaphore_mem>>) src(%dma_wait3A_274 : memref<1000000x128xf32, #tpu.memory_space<hbm>>) dst(%arg8 : memref<400x128xf32, #tpu.memory_space<vmem>>)
    %add3A_275 = arith.constant 6000 : i32
    %add3A_276 = arith.addi %mul3A_2, %add3A_275 : i32
    %dma_start3A_277 = arith.constant 0 : i32
    %dma_start3A_278 = tpu.memref_slice %arg4[%add3A_276, %dma_start3A_277] : memref<204800x128xf32, #tpu.memory_space<hbm>> -> memref<400x128xf32, #tpu.memory_space<hbm>>
    %dma_start3A_279 = arith.constant 0 : i32
    %dma_start3A_280 = tpu.memref_slice %arg4[%add3A_276, %dma_start3A_279] : memref<204800x128xf32, #tpu.memory_space<hbm>> -> memref<400x128xf32, #tpu.memory_space<hbm>>
    tpu.enqueue_dma source(%arg8 : memref<400x128xf32, #tpu.memory_space<vmem>>) target(%dma_start3A_280 : memref<400x128xf32, #tpu.memory_space<hbm>>) target_semaphore(%arg12 : memref<!tpu.dma_semaphore, #tpu.memory_space<semaphore_mem>>)
    %dma_wait3A_281 = arith.constant 0 : i32
    %dma_wait3A_282 = tpu.memref_slice %arg4[%add3A_267, %dma_wait3A_281] : memref<204800x128xf32, #tpu.memory_space<hbm>> -> memref<400x128xf32, #tpu.memory_space<hbm>>
    %dma_wait3A_283 = arith.constant 0 : i32
    %dma_wait3A_284 = tpu.memref_slice %arg4[%add3A_267, %dma_wait3A_283] : memref<204800x128xf32, #tpu.memory_space<hbm>> -> memref<400x128xf32, #tpu.memory_space<hbm>>
    tpu.wait_dma2 semaphore(%arg11 : memref<!tpu.dma_semaphore, #tpu.memory_space<semaphore_mem>>) src(%arg7 : memref<400x128xf32, #tpu.memory_space<vmem>>) dst(%dma_wait3A_284 : memref<400x128xf32, #tpu.memory_space<hbm>>)
    %dma_wait3A_285 = arith.constant 0 : i32
    %dma_wait3A_286 = tpu.memref_slice %arg4[%add3A_276, %dma_wait3A_285] : memref<204800x128xf32, #tpu.memory_space<hbm>> -> memref<400x128xf32, #tpu.memory_space<hbm>>
    %dma_wait3A_287 = arith.constant 0 : i32
    %dma_wait3A_288 = tpu.memref_slice %arg4[%add3A_276, %dma_wait3A_287] : memref<204800x128xf32, #tpu.memory_space<hbm>> -> memref<400x128xf32, #tpu.memory_space<hbm>>
    tpu.wait_dma2 semaphore(%arg12 : memref<!tpu.dma_semaphore, #tpu.memory_space<semaphore_mem>>) src(%arg8 : memref<400x128xf32, #tpu.memory_space<vmem>>) dst(%dma_wait3A_288 : memref<400x128xf32, #tpu.memory_space<hbm>>)
    return
  }
}

module attributes {stable_mosaic.version = 14 : i64} {
  func.func @pack_kernel(%arg0: i32, %arg1: memref<64x16384xf32, #tpu.memory_space<vmem>>, %arg2: memref<64x64xf32, #tpu.memory_space<vmem>>, %arg3: memref<1000000x128xf32, #tpu.memory_space<any>>, %arg4: memref<16384x128xf32, #tpu.memory_space<vmem>>, %arg5: memref<16384x128xf32, #tpu.memory_space<vmem>>, %arg6: memref<!tpu.dma_semaphore, #tpu.memory_space<semaphore_mem>>, %arg7: memref<!tpu.dma_semaphore, #tpu.memory_space<semaphore_mem>>) attributes {dimension_semantics = [#tpu.dimension_semantics<arbitrary>], iteration_bounds = array<i64: 62>, scalar_prefetch = 0 : i64, scratch_operands = 4 : i64, tpu.core_type = #tpu.core_type<tc>, window_params = [{transform_indices = @transform_0, window_bounds = array<i64: 64, 16384>}, {pipeline_mode = #tpu.pipeline_mode<synchronous>, transform_indices = @transform_1, window_bounds = array<i64: 64, 64>}, {}]} {
    %ne3A = arith.constant 61 : i32
    %ne3A_0 = arith.cmpi ne, %arg0, %ne3A : i32
    %jit3A = arith.constant 2 : i32
    %eq3A = arith.constant 0 : i32
    %eq3A_1 = arith.cmpi eq, %jit3A, %eq3A : i32
    %jit3A_2 = arith.constant 1 : i32
    %select_n3A = arith.select %eq3A_1, %jit3A_2, %jit3A : i32
    %rem3A = arith.remsi %arg0, %select_n3A : i32
    %ne3A_3 = arith.constant 0 : i32
    %ne3A_4 = arith.cmpi ne, %rem3A, %ne3A_3 : i32
    %lt3A = arith.constant 0 : i32
    %lt3A_5 = arith.cmpi slt, %rem3A, %lt3A : i32
    %lt3A_6 = arith.constant 0 : i32
    %lt3A_7 = arith.cmpi slt, %select_n3A, %lt3A_6 : i32
    %ne3A_8 = arith.xori %lt3A_5, %lt3A_7 : i1
    %and3A = arith.andi %ne3A_8, %ne3A_4 : i1
    %add3A = arith.addi %rem3A, %select_n3A : i32
    %select_n3A_9 = arith.select %and3A, %add3A, %rem3A : i32
    %eq3A_10 = arith.constant 0 : i32
    %eq3A_11 = arith.cmpi eq, %select_n3A_9, %eq3A_10 : i32
    %and3A_12 = arith.andi %ne3A_0, %eq3A_11 : i1
    %convert_element_type3A = arith.extui %and3A_12 : i1 to i32
    %cond3A = arith.constant 0 : i32
    %cond3A_13 = arith.cmpi ne, %convert_element_type3A, %cond3A : i32
    scf.if %cond3A_13 {
      %ge3A = arith.constant 2 : i32
      %ge3A_43 = arith.cmpi sge, %arg0, %ge3A : i32
      %convert_element_type3A_44 = arith.extui %ge3A_43 : i1 to i32
      %cond3A_45 = arith.constant 0 : i32
      %cond3A_46 = arith.cmpi ne, %convert_element_type3A_44, %cond3A_45 : i32
      scf.if %cond3A_46 {
        %dma_wait3A = arith.constant 0 : i32
        %dma_wait3A_58 = arith.constant 0 : i32
        %dma_wait3A_59 = tpu.memref_slice %arg3[%dma_wait3A, %dma_wait3A_58] : memref<1000000x128xf32, #tpu.memory_space<any>> -> memref<16384x128xf32, #tpu.memory_space<any>>
        tpu.wait_dma2 semaphore(%arg6 : memref<!tpu.dma_semaphore, #tpu.memory_space<semaphore_mem>>) src(%arg4 : memref<16384x128xf32, #tpu.memory_space<vmem>>) dst(%dma_wait3A_59 : memref<16384x128xf32, #tpu.memory_space<any>>)
      } else {
      }
      %get3A = arith.constant 0 : index
      %get3A_47 = arith.constant 0 : index
      %get3A_48 = vector.load %arg1[%get3A, %get3A_47] : memref<64x16384xf32, #tpu.memory_space<vmem>>, vector<64x16384xf32>
      %get3A_49 = arith.constant 0 : index
      %get3A_50 = arith.constant 0 : index
      %get3A_51 = vector.load %arg2[%get3A_49, %get3A_50] : memref<64x64xf32, #tpu.memory_space<vmem>>, vector<64x64xf32>
      %dot_general3A = arith.constant dense<0.000000e+00> : vector<16384x64xf32>
      %dot_general3A_52 = tpu.matmul %get3A_48, %get3A_51, %dot_general3A {dimension_numbers = #tpu.dot_dimension_numbers<[0], [0], [1], [1], [0, 1, 1, 1], [], []>, transpose_lhs_hint = true} : vector<64x16384xf32>, vector<64x64xf32>, vector<16384x64xf32> -> vector<16384x64xf32>
      %broadcast_in_dim3A = arith.constant 0.000000e+00 : f32
      %broadcast_in_dim3A_53 = vector.broadcast %broadcast_in_dim3A : f32 to vector<16384x64xf32>
      %concatenate3A = tpu.concatenate %dot_general3A_52, %broadcast_in_dim3A_53 in 1 : vector<16384x64xf32>, vector<16384x64xf32> -> vector<16384x128xf32>
      %swap3A = arith.constant 0 : index
      %swap3A_54 = arith.constant 0 : index
      %swap3A_55 = vector.load %arg4[%swap3A, %swap3A_54] : memref<16384x128xf32, #tpu.memory_space<vmem>>, vector<16384x128xf32>
      tpu.vector_store %arg4[%swap3A, %swap3A_54], %concatenate3A {strides = array<i32>} : memref<16384x128xf32, #tpu.memory_space<vmem>>, vector<16384x128xf32>,
      %mul3A = arith.constant 16384 : i32
      %mul3A_56 = arith.muli %arg0, %mul3A : i32
      %dma_start3A = arith.constant 0 : i32
      %dma_start3A_57 = tpu.memref_slice %arg3[%mul3A_56, %dma_start3A] : memref<1000000x128xf32, #tpu.memory_space<any>> -> memref<16384x128xf32, #tpu.memory_space<any>>
      tpu.enqueue_dma source(%arg4 : memref<16384x128xf32, #tpu.memory_space<vmem>>) target(%dma_start3A_57 : memref<16384x128xf32, #tpu.memory_space<any>>) target_semaphore(%arg6 : memref<!tpu.dma_semaphore, #tpu.memory_space<semaphore_mem>>)
    } else {
    }
    %ne3A_14 = arith.constant 61 : i32
    %ne3A_15 = arith.cmpi ne, %arg0, %ne3A_14 : i32
    %jit3A_16 = arith.constant 2 : i32
    %eq3A_17 = arith.constant 0 : i32
    %eq3A_18 = arith.cmpi eq, %jit3A_16, %eq3A_17 : i32
    %jit3A_19 = arith.constant 1 : i32
    %select_n3A_20 = arith.select %eq3A_18, %jit3A_19, %jit3A_16 : i32
    %rem3A_21 = arith.remsi %arg0, %select_n3A_20 : i32
    %ne3A_22 = arith.constant 0 : i32
    %ne3A_23 = arith.cmpi ne, %rem3A_21, %ne3A_22 : i32
    %lt3A_24 = arith.constant 0 : i32
    %lt3A_25 = arith.cmpi slt, %rem3A_21, %lt3A_24 : i32
    %lt3A_26 = arith.constant 0 : i32
    %lt3A_27 = arith.cmpi slt, %select_n3A_20, %lt3A_26 : i32
    %ne3A_28 = arith.xori %lt3A_25, %lt3A_27 : i1
    %and3A_29 = arith.andi %ne3A_28, %ne3A_23 : i1
    %add3A_30 = arith.addi %rem3A_21, %select_n3A_20 : i32
    %select_n3A_31 = arith.select %and3A_29, %add3A_30, %rem3A_21 : i32
    %eq3A_32 = arith.constant 1 : i32
    %eq3A_33 = arith.cmpi eq, %select_n3A_31, %eq3A_32 : i32
    %and3A_34 = arith.andi %ne3A_15, %eq3A_33 : i1
    %convert_element_type3A_35 = arith.extui %and3A_34 : i1 to i32
    %cond3A_36 = arith.constant 0 : i32
    %cond3A_37 = arith.cmpi ne, %convert_element_type3A_35, %cond3A_36 : i32
    scf.if %cond3A_37 {
      %ge3A = arith.constant 2 : i32
      %ge3A_43 = arith.cmpi sge, %arg0, %ge3A : i32
      %convert_element_type3A_44 = arith.extui %ge3A_43 : i1 to i32
      %cond3A_45 = arith.constant 0 : i32
      %cond3A_46 = arith.cmpi ne, %convert_element_type3A_44, %cond3A_45 : i32
      scf.if %cond3A_46 {
        %dma_wait3A = arith.constant 0 : i32
        %dma_wait3A_58 = arith.constant 0 : i32
        %dma_wait3A_59 = tpu.memref_slice %arg3[%dma_wait3A, %dma_wait3A_58] : memref<1000000x128xf32, #tpu.memory_space<any>> -> memref<16384x128xf32, #tpu.memory_space<any>>
        tpu.wait_dma2 semaphore(%arg7 : memref<!tpu.dma_semaphore, #tpu.memory_space<semaphore_mem>>) src(%arg5 : memref<16384x128xf32, #tpu.memory_space<vmem>>) dst(%dma_wait3A_59 : memref<16384x128xf32, #tpu.memory_space<any>>)
      } else {
      }
      %get3A = arith.constant 0 : index
      %get3A_47 = arith.constant 0 : index
      %get3A_48 = vector.load %arg1[%get3A, %get3A_47] : memref<64x16384xf32, #tpu.memory_space<vmem>>, vector<64x16384xf32>
      %get3A_49 = arith.constant 0 : index
      %get3A_50 = arith.constant 0 : index
      %get3A_51 = vector.load %arg2[%get3A_49, %get3A_50] : memref<64x64xf32, #tpu.memory_space<vmem>>, vector<64x64xf32>
      %dot_general3A = arith.constant dense<0.000000e+00> : vector<16384x64xf32>
      %dot_general3A_52 = tpu.matmul %get3A_48, %get3A_51, %dot_general3A {dimension_numbers = #tpu.dot_dimension_numbers<[0], [0], [1], [1], [0, 1, 1, 1], [], []>, transpose_lhs_hint = true} : vector<64x16384xf32>, vector<64x64xf32>, vector<16384x64xf32> -> vector<16384x64xf32>
      %broadcast_in_dim3A = arith.constant 0.000000e+00 : f32
      %broadcast_in_dim3A_53 = vector.broadcast %broadcast_in_dim3A : f32 to vector<16384x64xf32>
      %concatenate3A = tpu.concatenate %dot_general3A_52, %broadcast_in_dim3A_53 in 1 : vector<16384x64xf32>, vector<16384x64xf32> -> vector<16384x128xf32>
      %swap3A = arith.constant 0 : index
      %swap3A_54 = arith.constant 0 : index
      %swap3A_55 = vector.load %arg5[%swap3A, %swap3A_54] : memref<16384x128xf32, #tpu.memory_space<vmem>>, vector<16384x128xf32>
      tpu.vector_store %arg5[%swap3A, %swap3A_54], %concatenate3A {strides = array<i32>} : memref<16384x128xf32, #tpu.memory_space<vmem>>, vector<16384x128xf32>,
      %mul3A = arith.constant 16384 : i32
      %mul3A_56 = arith.muli %arg0, %mul3A : i32
      %dma_start3A = arith.constant 0 : i32
      %dma_start3A_57 = tpu.memref_slice %arg3[%mul3A_56, %dma_start3A] : memref<1000000x128xf32, #tpu.memory_space<any>> -> memref<16384x128xf32, #tpu.memory_space<any>>
      tpu.enqueue_dma source(%arg5 : memref<16384x128xf32, #tpu.memory_space<vmem>>) target(%dma_start3A_57 : memref<16384x128xf32, #tpu.memory_space<any>>) target_semaphore(%arg7 : memref<!tpu.dma_semaphore, #tpu.memory_space<semaphore_mem>>)
    } else {
    }
    %eq3A_38 = arith.constant 61 : i32
    %eq3A_39 = arith.cmpi eq, %arg0, %eq3A_38 : i32
    %convert_element_type3A_40 = arith.extui %eq3A_39 : i1 to i32
    %cond3A_41 = arith.constant 0 : i32
    %cond3A_42 = arith.cmpi ne, %convert_element_type3A_40, %cond3A_41 : i32
    scf.if %cond3A_42 {
      %dma_wait3A = arith.constant 0 : i32
      %dma_wait3A_43 = arith.constant 0 : i32
      %dma_wait3A_44 = tpu.memref_slice %arg3[%dma_wait3A, %dma_wait3A_43] : memref<1000000x128xf32, #tpu.memory_space<any>> -> memref<16384x128xf32, #tpu.memory_space<any>>
      tpu.wait_dma2 semaphore(%arg6 : memref<!tpu.dma_semaphore, #tpu.memory_space<semaphore_mem>>) src(%arg4 : memref<16384x128xf32, #tpu.memory_space<vmem>>) dst(%dma_wait3A_44 : memref<16384x128xf32, #tpu.memory_space<any>>)
      %get3A = arith.constant 0 : index
      %get3A_45 = arith.constant 0 : index
      %get3A_46 = vector.load %arg1[%get3A, %get3A_45] : memref<64x16384xf32, #tpu.memory_space<vmem>>, vector<64x16384xf32>
      %get3A_47 = arith.constant 0 : index
      %get3A_48 = arith.constant 0 : index
      %get3A_49 = vector.load %arg2[%get3A_47, %get3A_48] : memref<64x64xf32, #tpu.memory_space<vmem>>, vector<64x64xf32>
      %dot_general3A = arith.constant dense<0.000000e+00> : vector<16384x64xf32>
      %dot_general3A_50 = tpu.matmul %get3A_46, %get3A_49, %dot_general3A {dimension_numbers = #tpu.dot_dimension_numbers<[0], [0], [1], [1], [0, 1, 1, 1], [], []>, transpose_lhs_hint = true} : vector<64x16384xf32>, vector<64x64xf32>, vector<16384x64xf32> -> vector<16384x64xf32>
      %broadcast_in_dim3A = arith.constant 0.000000e+00 : f32
      %broadcast_in_dim3A_51 = vector.broadcast %broadcast_in_dim3A : f32 to vector<16384x64xf32>
      %concatenate3A = tpu.concatenate %dot_general3A_50, %broadcast_in_dim3A_51 in 1 : vector<16384x64xf32>, vector<16384x64xf32> -> vector<16384x128xf32>
      %swap3A = arith.constant 0 : index
      %swap3A_52 = arith.constant 0 : index
      %swap3A_53 = vector.load %arg4[%swap3A, %swap3A_52] : memref<16384x128xf32, #tpu.memory_space<vmem>>, vector<16384x128xf32>
      tpu.vector_store %arg4[%swap3A, %swap3A_52], %concatenate3A {strides = array<i32>} : memref<16384x128xf32, #tpu.memory_space<vmem>>, vector<16384x128xf32>,
      %dma_start3A = arith.constant 999424 : i32
      %dma_start3A_54 = arith.constant 0 : i32
      %dma_start3A_55 = tpu.memref_slice %arg3[%dma_start3A, %dma_start3A_54] : memref<1000000x128xf32, #tpu.memory_space<any>> -> memref<576x128xf32, #tpu.memory_space<any>>
      %dma_start3A_56 = arith.constant 0 : i32
      %dma_start3A_57 = arith.constant 0 : i32
      %dma_start3A_58 = tpu.memref_slice %arg4[%dma_start3A_56, %dma_start3A_57] : memref<16384x128xf32, #tpu.memory_space<vmem>> -> memref<576x128xf32, #tpu.memory_space<vmem>>
      tpu.enqueue_dma source(%dma_start3A_58 : memref<576x128xf32, #tpu.memory_space<vmem>>) target(%dma_start3A_55 : memref<576x128xf32, #tpu.memory_space<any>>) target_semaphore(%arg6 : memref<!tpu.dma_semaphore, #tpu.memory_space<semaphore_mem>>)
      %dma_wait3A_59 = arith.constant 999424 : i32
      %dma_wait3A_60 = arith.constant 0 : i32
      %dma_wait3A_61 = tpu.memref_slice %arg3[%dma_wait3A_59, %dma_wait3A_60] : memref<1000000x128xf32, #tpu.memory_space<any>> -> memref<576x128xf32, #tpu.memory_space<any>>
      %dma_wait3A_62 = arith.constant 0 : i32
      %dma_wait3A_63 = arith.constant 0 : i32
      %dma_wait3A_64 = tpu.memref_slice %arg4[%dma_wait3A_62, %dma_wait3A_63] : memref<16384x128xf32, #tpu.memory_space<vmem>> -> memref<576x128xf32, #tpu.memory_space<vmem>>
      tpu.wait_dma2 semaphore(%arg6 : memref<!tpu.dma_semaphore, #tpu.memory_space<semaphore_mem>>) src(%dma_wait3A_64 : memref<576x128xf32, #tpu.memory_space<vmem>>) dst(%dma_wait3A_61 : memref<576x128xf32, #tpu.memory_space<any>>)
      %dma_wait3A_65 = arith.constant 0 : i32
      %dma_wait3A_66 = arith.constant 0 : i32
      %dma_wait3A_67 = tpu.memref_slice %arg3[%dma_wait3A_65, %dma_wait3A_66] : memref<1000000x128xf32, #tpu.memory_space<any>> -> memref<16384x128xf32, #tpu.memory_space<any>>
      tpu.wait_dma2 semaphore(%arg7 : memref<!tpu.dma_semaphore, #tpu.memory_space<semaphore_mem>>) src(%arg5 : memref<16384x128xf32, #tpu.memory_space<vmem>>) dst(%dma_wait3A_67 : memref<16384x128xf32, #tpu.memory_space<any>>)
    } else {
    }
    return
  }
  func.func @transform_0(%arg0: i32) -> (i32, i32) {
    %c0_i32 = arith.constant 0 : i32
    %c0_i32_0 = arith.constant 0 : i32
    return %c0_i32, %arg0 : i32, i32
  }
  func.func @transform_1(%arg0: i32) -> (i32, i32) {
    %c0_i32 = arith.constant 0 : i32
    %c0_i32_0 = arith.constant 0 : i32
    %c0_i32_1 = arith.constant 0 : i32
    return %c0_i32, %c0_i32_0 : i32, i32
  }
}

module attributes {stable_mosaic.version = 14 : i64} {
  func.func @matmul_kernel(%arg0: i32, %arg1: memref<6400x128xf32, #tpu.memory_space<vmem>>, %arg2: memref<128x256xf32, #tpu.memory_space<vmem>>, %arg3: memref<1x256xf32, #tpu.memory_space<vmem>>, %arg4: memref<32x200x256xf32, #tpu.memory_space<vmem>>) attributes {dimension_semantics = [#tpu.dimension_semantics<arbitrary>], iteration_bounds = array<i64: 32>, scalar_prefetch = 0 : i64, scratch_operands = 0 : i64, tpu.core_type = #tpu.core_type<tc>, window_params = [{transform_indices = @transform_0, window_bounds = array<i64: 6400, 128>}, {pipeline_mode = #tpu.pipeline_mode<synchronous>, transform_indices = @transform_1, window_bounds = array<i64: 128, 256>}, {pipeline_mode = #tpu.pipeline_mode<synchronous>, transform_indices = @transform_2, window_bounds = array<i64: 1, 256>}, {transform_indices = @transform_3, window_bounds = array<i64: 32, 200, 256>}]} {
    %get3A = arith.constant 0 : index
    %get3A_0 = arith.constant 0 : index
    %get3A_1 = vector.load %arg1[%get3A, %get3A_0] : memref<6400x128xf32, #tpu.memory_space<vmem>>, vector<6400x128xf32>
    %get3A_2 = arith.constant 0 : index
    %get3A_3 = arith.constant 0 : index
    %get3A_4 = vector.load %arg2[%get3A_2, %get3A_3] : memref<128x256xf32, #tpu.memory_space<vmem>>, vector<128x256xf32>
    %dot_general3A = arith.constant dense<0.000000e+00> : vector<6400x256xf32>
    %dot_general3A_5 = tpu.matmul %get3A_1, %get3A_4, %dot_general3A {dimension_numbers = #tpu.dot_dimension_numbers<[1], [0], [0], [1], [0, 0, 1, 1], [], []>, transpose_lhs_hint = false} : vector<6400x128xf32>, vector<128x256xf32>, vector<6400x256xf32> -> vector<6400x256xf32>
    %get3A_6 = arith.constant 0 : index
    %get3A_7 = arith.constant 0 : index
    %get3A_8 = vector.load %arg3[%get3A_6, %get3A_7] : memref<1x256xf32, #tpu.memory_space<vmem>>, vector<1x256xf32>
    %add3A = vector.broadcast %get3A_8 : vector<1x256xf32> to vector<6400x256xf32>
    %add3A_9 = arith.addf %dot_general3A_5, %add3A : vector<6400x256xf32>
    %reshape3A = vector.shape_cast %add3A_9 : vector<6400x256xf32> to vector<32x200x256xf32>
    %swap3A = arith.constant 0 : index
    %swap3A_10 = arith.constant 0 : index
    %swap3A_11 = arith.constant 0 : index
    %swap3A_12 = vector.load %arg4[%swap3A, %swap3A_10, %swap3A_11] : memref<32x200x256xf32, #tpu.memory_space<vmem>>, vector<32x200x256xf32>
    tpu.vector_store %arg4[%swap3A, %swap3A_10, %swap3A_11], %reshape3A {strides = array<i32>} : memref<32x200x256xf32, #tpu.memory_space<vmem>>, vector<32x200x256xf32>,
    return
  }
  func.func @transform_0(%arg0: i32) -> (i32, i32) {
    %c0_i32 = arith.constant 0 : i32
    %c0_i32_0 = arith.constant 0 : i32
    return %arg0, %c0_i32 : i32, i32
  }
  func.func @transform_1(%arg0: i32) -> (i32, i32) {
    %c0_i32 = arith.constant 0 : i32
    %c0_i32_0 = arith.constant 0 : i32
    %c0_i32_1 = arith.constant 0 : i32
    return %c0_i32, %c0_i32_0 : i32, i32
  }
  func.func @transform_2(%arg0: i32) -> (i32, i32) {
    %c0_i32 = arith.constant 0 : i32
    %c0_i32_0 = arith.constant 0 : i32
    %c0_i32_1 = arith.constant 0 : i32
    return %c0_i32, %c0_i32_0 : i32, i32
  }
  func.func @transform_3(%arg0: i32) -> (i32, i32, i32) {
    %add3A = arith.constant 0 : i32
    %add3A_0 = arith.addi %arg0, %add3A : i32
    %c0_i32 = arith.constant 0 : i32
    %c0_i32_1 = arith.constant 0 : i32
    %c0_i32_2 = arith.constant 0 : i32
    return %add3A_0, %c0_i32, %c0_i32_1 : i32, i32, i32
  }
}

</mosaic_0001>

<sc_bundles>
// kernel: kernel.5.cloned.1.call-start
scs
__scs_entry_jumppad:
0x0: {  	(pc) =	sbr.rel $0x88, $3  }
0x1: {  	(tag) =	ssettag $0x0;
	lr =	simm.s32 $0x1  }
0x2: {  	[smem:$0x3F9D] =	sst lr;
	_ =	strace $0xD0000000  }
0x3: {  	_ = 	snop  }
0x4: {  	_ = 	snop  }
0x5: {  	_ = 	snop  }
0x6: {  	_ = 	snop  }
0x7: {  	_ = 	snop  }
__scs_overlays_trampoline_lowered:
0x8: {  	[smem:$0x3FAC] =	sst s0  }
0x9: {  	[smem:$0x3FAD] =	sst s1  }
0xa: {  	[smem:$0x3FAE] =	sst s2  }
0xb: {  	[smem:$0x3FAF] =	sst s3  }
0xc: {  	[smem:$0x3FB0] =	sst s4  }
0xd: {  	[smem:$0x3FB1] =	sst s5  }
0xe: {  	[smem:$0x3FB2] =	sst s6  }
0xf: {  	[smem:$0x3FB3] =	sst s7  }
0x10: {  	[smem:$0x3FB4] =	sst s8  }
0x11: {  	[smem:$0x3FB5] =	sst s9;
	s0 =	simm.s32 @!p0 $0x0  }
0x12: {  	s1 =	sld [smem:$0x3F9B];
	s0 =	simm.s32 @p0 $0x1  }
0x13: {  	[smem:$0x3FB6] =	sst s0;
	s0 =	simm.s32 @!p1 $0x0  }
0x14: {  	s2 =	sld [smem:$0x3F9A];
	s0 =	simm.s32 @p1 $0x1  }
0x15: {  	[smem:$0x3FB7] =	sst s0;
	s0 =	simm.s32 @!p2 $0x0  }
0x16: {  	s3 =	sld [smem:$0x3FDB];
	s0 =	simm.s32 @p2 $0x1  }
0x17: {  	s4 =	simm.s32 $0x1BF5;
	[smem:$0x3FB9] =	sst s0  }
0x18: {  	s0 =	sld [smem:$0x3F9C];
	_ =	swait.ge [sflag:s4], $0x0  }
0x19: {  	s7 =	sld [smem:$0x3F9D]  }
0x1a: {  	s8 =	sadd.s32 $0xFFFFE003, lr  }
0x1b: {  	s9 =	sadd.s32 $0xFFFFFEF7, lr;
	s5 =	simm.s32 $0xFFFFFFFF;
	p2 =	slt.u32 s8, $0xFFFFF086  }
0x1c: {  	p1 =	slt.u32 s9, $0xF7A;
	s5 =	simm.s32 @!p2 $0x0  }
0x1d: {  	s5 =	simm.s32 @p1 $0x1;
	p0 =	seq.s32 s7, s2  }
0x1e: {  	s7 =	smul.u32 @!p0 $0xF7A, s2;
	p2 =	seq.s32 @!p0 s5, $0x0  }
0x1f: {  	s9 =	smul.u32 $0xF7A, s1;
	s8 =	simm.s32 @!p0 $0x1BF5;
	p2 =	por !p2, p0  }
0x20: {  	[sflag:s8] =	ssyncset.s32 @!p0 $0xFFFFF086;
	s6 =	sadd.s32 @!p0 s3, s7;
	s7 =	simm.s32 @!p0 $0x108  }
0x21: {  	s3 =	sadd.s32 s3, s9;
	s6 =	sadd.s32 @!p0 $0x88, s6;
	s7 =	simm.s32 @p2 $0x1082  }
0x22: {  	[simem:s7], [sflag:s8] =	dma.local @!p0 [hbm:s6], $0xF7A  }
0x23: {  	s9 =	sor.u32 $0xD0000000, s2;
	s6 =	simm.s32 $0x108;
	_ =	swait.ge @!p0 [sflag:s8], $0x0  }
0x24: {  	s3 =	sadd.s32 $0x88, s3;
	s6 =	simm.s32 @!p1 $0x1082;
	[sflag:s4] =	ssyncset.s32 $0xFFFFF086  }
0x25: {  	[simem:s6], [sflag:s4] =	dma.local [hbm:s3], $0xF7A  }
0x26: {  	[smem:$0x3F9D] =	sst s1;
	(tag) =	ssettag s2;
	_ =	strace s9  }
0x27: {  	s1 =	sld [smem:$0x3FAD]  }
0x28: {  	s2 =	sld [smem:$0x3FAE]  }
0x29: {  	s4 =	sld [smem:$0x3FB0]  }
0x2a: {  	p0 =	seq.s32 s5, $0x0;
	s5 =	sld [smem:$0x3FB1]  }
0x2b: {  	s6 =	sld [smem:$0x3FB2]  }
0x2c: {  	s7 =	sld [smem:$0x3FB3]  }
0x2d: {  	s3 =	simm.s32 $0x108;
	s8 =	sld [smem:$0x3FB4]  }
0x2e: {  	s3 =	simm.s32 @!p0 $0x1082;
	s9 =	sld [smem:$0x3FB5]  }
0x2f: {  	lr =	sadd.s32 s0, s3;
	s0 =	sld [smem:$0x3FAC]  }
0x30: {  	s3 =	sld [smem:$0x3FAF]  }
0x31: {  	[smem:$0x3FB8] =	sst s10  }
0x32: {  	s10 =	sld [smem:$0x3FB6];
	_ =	sdelay $0x3  }
0x33: {  	p0 =	seq.s32 s10, $0x1;
	s10 =	sld [smem:$0x3FB8];
	_ =	sdelay $0x3  }
0x34: {  	[smem:$0x3FB8] =	sst s10  }
0x35: {  	s10 =	sld [smem:$0x3FB7];
	_ =	sdelay $0x3  }
0x36: {  	p1 =	seq.s32 s10, $0x1;
	s10 =	sld [smem:$0x3FB8];
	_ =	sdelay $0x3  }
0x37: {  	[smem:$0x3FB8] =	sst s10  }
0x38: {  	s10 =	sld [smem:$0x3FB9]  }
0x39: {  	_ = 	snop;
	(pc) =	sbr.ind lr, $3  }
0x3a: {  	_ = 	snop  }
0x3b: {  	_ = 	snop  }
0x3c: {  	p2 =	seq.s32 s10, $0x1;
	s10 =	sld [smem:$0x3FB8]  }
0x3d: {  	_ =	shalt  }
0x3e: {  	_ =	shalt  }
0x3f: {  	_ =	shalt  }
0x40: {  	_ =	shalt  }
0x41: {  	_ =	shalt  }
0x42: {  	_ =	shalt  }
0x43: {  	_ =	shalt  }
0x44: {  	_ =	shalt  }
0x45: {  	_ =	shalt  }
0x46: {  	_ =	shalt  }
0x47: {  	_ =	shalt  }
0x48: {  	_ =	shalt  }
0x49: {  	_ =	shalt  }
0x4a: {  	_ =	shalt  }
0x4b: {  	_ =	shalt  }
0x4c: {  	_ =	shalt  }
0x4d: {  	_ =	shalt  }
0x4e: {  	_ =	shalt  }
0x4f: {  	_ =	shalt  }
0x50: {  	_ =	shalt  }
0x51: {  	_ =	shalt  }
0x52: {  	_ =	shalt  }
0x53: {  	_ =	shalt  }
0x54: {  	_ =	shalt  }
0x55: {  	_ =	shalt  }
0x56: {  	_ =	shalt  }
0x57: {  	_ =	shalt  }
0x58: {  	_ =	shalt  }
0x59: {  	_ =	shalt  }
0x5a: {  	_ =	shalt  }
0x5b: {  	_ =	shalt  }
0x5c: {  	_ =	shalt  }
0x5d: {  	_ =	shalt  }
0x5e: {  	_ =	shalt  }
0x5f: {  	_ =	shalt  }
0x60: {  	_ =	shalt  }
0x61: {  	_ =	shalt  }
0x62: {  	_ =	shalt  }
0x63: {  	_ =	shalt  }
0x64: {  	_ =	shalt  }
0x65: {  	_ =	shalt  }
0x66: {  	_ =	shalt  }
0x67: {  	_ =	shalt  }
0x68: {  	_ =	shalt  }
0x69: {  	_ =	shalt  }
0x6a: {  	_ =	shalt  }
0x6b: {  	_ =	shalt  }
0x6c: {  	_ =	shalt  }
0x6d: {  	_ =	shalt  }
0x6e: {  	_ =	shalt  }
0x6f: {  	_ =	shalt  }
0x70: {  	_ =	shalt  }
0x71: {  	_ =	shalt  }
0x72: {  	_ =	shalt  }
0x73: {  	_ =	shalt  }
0x74: {  	_ =	shalt  }
0x75: {  	_ =	shalt  }
0x76: {  	_ =	shalt  }
0x77: {  	_ =	shalt  }
0x78: {  	_ =	shalt  }
0x79: {  	_ =	shalt  }
0x7a: {  	_ =	shalt  }
0x7b: {  	_ =	shalt  }
0x7c: {  	_ =	shalt  }
0x7d: {  	_ =	shalt  }
0x7e: {  	_ =	shalt  }
0x7f: {  	_ =	shalt  }
0x80: {  	_ =	shalt  }
0x81: {  	_ =	shalt  }
0x82: {  	_ =	shalt  }
0x83: {  	_ =	shalt  }
0x84: {  	_ =	shalt  }
0x85: {  	_ =	shalt  }
0x86: {  	_ =	shalt  }
0x87: {  	_ =	shalt  }
.Lfunc_end0:
.L_simem_size_0:
called_computation_lowered:
.L_overlay_start_0:
0x88: {  	s2 =	sld [smem:$0x3FD9]  }
0x89: {  	s3 =	sld [smem:$0x3FFE];
	_ =	sdelay $0x1  }
0x8a: {  	s1 =	srdreg.scid  }
0x8b: {  	s0 =	sand.u32 $0x1, s1  }
0x8c: {  	s17 =	sshll.u32 s0, $0xA;
	s2 =	sadd.s32 s3, s2  }
0x8d: {  	s2 =	sadd.s32 s2, s17  }
0x8e: {  	[smem:$0x3FC4] =	sst s2  }
0x8f: {  	_ = 	snop  }
0x90: {  	s2 =	sld [smem:$0x3FD0];
	(tm) =	ssettm $0x1  }
0x91: {  	s18 =	sld [smem:$0x3FFB];
	_ =	sdelay $0x3  }
0x92: {  	_ =	strace s18  }
0x93: {  	s3 =	sld [smem:$0x3FFC];
	_ =	sdelay $0x3  }
0x94: {  	_ =	strace s3  }
0x95: {  	s3 =	sld [smem:$0x3FFD];
	_ =	sdelay $0x3  }
0x96: {  	_ =	strace s3  }
0x97: {  	_ =	strace $0x8FFFFFFF  }
0x98: {  	s19 =	sld [smem:$0x3FDB];
	_ =	sdelay $0x1  }
0x99: {  	s4 =	simm.s32 $_scs_section_size  }
0x9a: {  	s5 =	simm.s32 $_size__tile_overlayer_lowered;
	s6 =	simm.s32 $_tile_overlayer_lowered  }
0x9b: {  	s22 =	simm.s32 $0x1BFF;
	s21 =	sshll.u32 s6, $0x1;
	s3 =	sadd.s32 s4, s19  }
0x9c: {  	s7 =	simm.s32 $0x0;
	s20 =	sshll.u32 s5, $0x1;
	s5 =	sadd.s32 s21, s3  }
0x9d: {  	[timem:s7], [sflag:s22] =	dma.local [hbm:s5], s20  }
0x9e: {  	_ =	swait.ge [sflag:s22], s20  }
0x9f: {  	s4 =	ssub.s32 $0x0, s20;
	[sflag:s22] =	ssyncset.done $0x0  }
0xa0: {  	[sflag:s22] =	ssyncadd.s32 s4;
	_ =	sdelay $0x1  }
0xa1: {  	s23 =	simm.s32 $0x1B8B  }
0xa2: {  	_ =	swait.ge [sflag:s23], $0x1  }
0xa3: {  	[sflag:s23] =	ssyncset.done $0x0  }
0xa4: {  	s25 =	simm.s32 $0x1B8E;
	s24 =	sld [smem:$0x3FFE];
	[sflag:s23] =	ssyncadd.s32 $0xFFFFFFFF  }
0xa5: {  	s26 =	simm.s32 $execute0_lowered;
	[smem:$0x3FD2] =	sst s25  }
0xa6: {  	s5 =	sshll.u32 s26, $0x1;
	_ =	strace $0x80000046;
	[dreg:$0x1] =	wrdreg $0xFFFFFFFF  }
0xa7: {  	s28 =	simm.s32 $_size_execute0_lowered;
	s3 =	sadd.s32 s3, s5;
	[dreg:$0x0] =	wrdreg $0x0  }
0xa8: {  	s5 =	sshll.u32 s28, $0x1;
	[dreg:$0x2] =	wrdreg s3  }
0xa9: {  	[dreg:$0x3] =	wrdreg s5  }
0xaa: {  	[dreg:$0x4] =	wrdreg $0xC0  }
0xab: {  	_ =	task [dreg:s7], $0x5FFFF  }
0xac: {  	[dreg:$0x1] =	wrdreg $0xFFFFFFFF  }
0xad: {  	[dreg:$0x0] =	wrdreg $0x60  }
0xae: {  	[dreg:$0x2] =	wrdreg s24  }
0xaf: {  	[dreg:$0x3] =	wrdreg s2  }
0xb0: {  	[dreg:$0x4] =	wrdreg $0x9  }
0xb1: {  	_ =	task.clear_ibuf [dreg:s7], $0x5FFFF;
	_ =	strace $0x90000046  }
0xb2: {  	s29 =	simm.s32 $0x9;
	_ =	strace $0x80000048  }
0xb3: {  	_ =	swait.ge [sflag:s29], $0x1  }
0xb4: {  	[sflag:s29] =	ssyncadd.s32 $0xFFFFFFFF  }
0xb5: {  	_ =	strace $0x90000048  }
0xb6: {  	_ =	sfence  }
0xb7: {  	s30 =	sld [smem:$0x0];
	_ =	sdelay $0x2  }
0xb8: {  	s31 =	sshll.u32 s1, $0xD;
	s1 =	sshrl.u32 s1, $0x2  }
0xb9: {  	s3 =	sand.u32 $0x4000, s31;
	s1 =	sadd.s32 s1, s30  }
0xba: {  	s0 =	sor.u32 s3, s0;
	s1 =	sshll.u32 s1, $0x11  }
0xbb: {  	s0 =	sor.u32 s1, s0  }
0xbc: {  	s0 =	sadd.s32 $0x8F2B, s0  }
0xbd: {  	[sflag:s0] =	ssyncadd.remote.s32 $0x1  }
0xbe: {  	_ =	sfence.sel $0xFFFF  }
0xbf: {  	[dreg:$0x0] =	wrdreg $0xFFFFFFFF;
	(pc) =	sbr.abs _section_cstart, $3  }
0xc0: {  	[dreg:$0x1] =	wrdreg $0xFFFFFFFF  }
0xc1: {  	_ =	task.clear_ibuf [dreg:s7], $0x2FFFF;
	_ =	strace $0x9FFFFFFF  }
0xc2: {  	(tm) =	ssettm $0x7FFFFFFF  }
0xc3: {  	_ =	shalt  }
tec
execute0_lowered:
.L_overlay_start_1:
0x0: {  	(tag) =	ssettag $0x1  }
0x1: {  	s1 =	srdreg.scid;
	s0 =	stileid.u32  }
0x2: {  	s1 =	sand.u32 $0x1, s1;
	s2 =	sshll.u32 s0, $0x1  }
0x3: {  	s4 =	rddreg [dreg:$0x0];
	s3 =	sor.u32 s1, s2  }
0x4: {  	[dreg:$0x10] =	wrdreg s1;
	s2 =	simm.s32 $0x0;
	s30 =	smul.u32 $0x1900, s3  }
0x5: {  	[smem:$0x7FF] =	sst s2;
	s3 =	smul.u32 $0x19000, s3  }
0x6: {  	s29 =	rddreg [dreg:$0x1];
	s31 =	sadd.s32 $0xF42C00, s4;
	_ =	strace $0x80000047  }
0x7: {  	s5 =	sshrl.u32 s30, $0x3;
	s6 =	sadd.s32 $0x190, s30;
	s3 =	sadd.s32 s31, s3  }
0x8: {  	s18 =	sadd.s32 $0x320, s30;
	s20 =	sadd.s32 $0x4B0, s30;
	s1 =	sadd.s32 $0x7D0, s30  }
0x9: {  	s5 =	sadd.s32 s29, s5;
	s7 =	sshrl.u32 s6, $0x3;
	[dreg:$0x5] =	wrdreg s3  }
0xa: {  	s19 =	sshrl.u32 s18, $0x3;
	[dreg:$0x3] =	wrdreg s5;
	s17 =	sadd.s32 s29, s7  }
0xb: {  	s6 =	sshll.u32 s6, $0x4;
	s3 =	sadd.s32 s29, s19;
	[dreg:$0x4] =	wrdreg s17  }
0xc: {  	s22 =	sshrl.u32 s20, $0x3;
	s21 =	sadd.s32 s31, s6;
	[dreg:$0x6] =	wrdreg s3  }
0xd: {  	s0 =	sshll.u32 s20, $0x4;
	s23 =	sadd.s32 s29, s22;
	[dreg:$0x7] =	wrdreg s21  }
0xe: {  	s9 =	sshrl.u32 s1, $0x3;
	s8 =	sadd.s32 s31, s0;
	[dreg:$0x8] =	wrdreg s23  }
0xf: {  	s25 =	sadd.s32 $0x640, s30;
	s10 =	sadd.s32 s29, s9;
	[dreg:$0xb] =	wrdreg s8  }
0x10: {  	s13 =	sadd.s32 $0x960, s30;
	s14 =	sshll.u32 s1, $0x4;
	[dreg:$0xc] =	wrdreg s10  }
0x11: {  	s5 =	sshll.u32 s18, $0x4;
	s16 =	sadd.s32 s31, s14;
	s15 =	rddreg [dreg:$0x3]  }
0x12: {  	s26 =	sshrl.u32 s25, $0x3;
	s24 =	sadd.s32 s31, s5;
	[dreg:$0xf] =	wrdreg s16  }
0x13: {  	s3 =	sadd.s32 s29, s26;
	s5 =	sshll.u32 s25, $0x4;
	[dreg:$0x9] =	wrdreg s24  }
0x14: {  	s12 =	sshrl.u32 s13, $0x3;
	[dreg:$0xa] =	wrdreg s3;
	s11 =	sadd.s32 s31, s5  }
0x15: {  	[tilespmem:s2], [sflag:$0x5] =	stream.linear.gather [hbm4b:s15+s2], $0x190, $0x38;
	[tilespmem:$0x19320] =	vst v63  }
0x16: {  	s3 =	sadd.s32 s29, s12;
	[dreg:$0xd] =	wrdreg s11  }
0x17: {  	[dreg:$0xe] =	wrdreg s3;
	s3 =	simm.s32 $0x5  }
0x18: {  	_ =	swait.ge [sflag:s3], $0x190  }
0x19: {  	s4 =	sadd.s32 $0x800, s4;
	[sflag:s3] =	ssyncset.done $0x0  }
0x1a: {  	s6 =	simm.s32 $0x320;
	s5 =	simm.s32 $0x190;
	[sflag:s3] =	ssyncadd.s32 $0xFFFFFE70  }
0x1b: {  	[tilespmem:s6], [sflag:$0x1] =	stream.indirect.gather [hbm4b:s4+s5], $0x80, s2, s5, $0xb8;
	[tilespmem:$0x19320] =	vst v63  }
0x1c: {  	s17 =	rddreg [dreg:$0x4]  }
0x1d: {  	[tilespmem:s5], [sflag:$0x5] =	stream.linear.gather [hbm4b:s17+s2], $0x190, $0x38;
	[tilespmem:$0x19320] =	vst v63  }
0x1e: {  	_ =	swait.ge [sflag:s3], $0x190  }
0x1f: {  	[sflag:s3] =	ssyncset.done $0x0  }
0x20: {  	s7 =	simm.s32 $0xCB20;
	s8 =	simm.s32 $0x1;
	[sflag:s3] =	ssyncadd.s32 $0xFFFFFE70  }
0x21: {  	[tilespmem:s7], [sflag:$0x2] =	stream.indirect.gather [hbm4b:s4+s5], $0x80, s5, s5, $0xb8;
	[tilespmem:$0x19320] =	vst v63  }
0x22: {  	_ =	swait.ge [sflag:s8], $0xC800  }
0x23: {  	[sflag:s8] =	ssyncset.done $0x0  }
0x24: {  	s9 =	simm.s32 $0x3;
	s10 =	rddreg [dreg:$0x5];
	[sflag:s8] =	ssyncadd.s32 $0xFFFF3800  }
0x25: {  	[hbm4b:s10+s2] =	stream.linear.scatter [tilespmem:s6], [sflag:$0x3], $0xC800, $0x38;
	[tilespmem:$0x19320] =	vst v63  }
0x26: {  	_ =	swait.ge [sflag:s9], $0xC800  }
0x27: {  	[sflag:s9] =	ssyncset.done $0x0  }
0x28: {  	s18 =	rddreg [dreg:$0x6];
	[sflag:s9] =	ssyncadd.s32 $0xFFFF3800  }
0x29: {  	[tilespmem:s2], [sflag:$0x5] =	stream.linear.gather [hbm4b:s18+s2], $0x190, $0x38;
	[tilespmem:$0x19320] =	vst v63  }
0x2a: {  	_ =	swait.ge [sflag:s3], $0x190  }
0x2b: {  	[sflag:s3] =	ssyncset.done $0x0  }
0x2c: {  	s10 =	simm.s32 $0x2;
	[sflag:s3] =	ssyncadd.s32 $0xFFFFFE70  }
0x2d: {  	[tilespmem:s6], [sflag:$0x1] =	stream.indirect.gather [hbm4b:s4+s5], $0x80, s2, s5, $0xb8;
	[tilespmem:$0x19320] =	vst v63  }
0x2e: {  	_ =	swait.ge [sflag:s10], $0xC800  }
0x2f: {  	[sflag:s10] =	ssyncset.done $0x0  }
0x30: {  	s11 =	simm.s32 $0x4;
	s12 =	rddreg [dreg:$0x7];
	[sflag:s10] =	ssyncadd.s32 $0xFFFF3800  }
0x31: {  	[hbm4b:s12+s2] =	stream.linear.scatter [tilespmem:s7], [sflag:$0x4], $0xC800, $0x38;
	[tilespmem:$0x19320] =	vst v63  }
0x32: {  	_ =	swait.ge [sflag:s11], $0xC800  }
0x33: {  	[sflag:s11] =	ssyncset.done $0x0  }
0x34: {  	s19 =	rddreg [dreg:$0x8];
	[sflag:s11] =	ssyncadd.s32 $0xFFFF3800  }
0x35: {  	[tilespmem:s5], [sflag:$0x5] =	stream.linear.gather [hbm4b:s19+s2], $0x190, $0x38;
	[tilespmem:$0x19320] =	vst v63  }
0x36: {  	_ =	swait.ge [sflag:s3], $0x190  }
0x37: {  	[sflag:s3] =	ssyncset.done $0x0  }
0x38: {  	[sflag:s3] =	ssyncadd.s32 $0xFFFFFE70  }
0x39: {  	[tilespmem:s7], [sflag:$0x2] =	stream.indirect.gather [hbm4b:s4+s5], $0x80, s5, s5, $0xb8;
	[tilespmem:$0x19320] =	vst v63  }
0x3a: {  	_ =	swait.ge [sflag:s8], $0xC800  }
0x3b: {  	[sflag:s8] =	ssyncset.done $0x0  }
0x3c: {  	s20 =	rddreg [dreg:$0x9];
	[sflag:s8] =	ssyncadd.s32 $0xFFFF3800  }
0x3d: {  	[hbm4b:s20+s2] =	stream.linear.scatter [tilespmem:s6], [sflag:$0x3], $0xC800, $0x38;
	[tilespmem:$0x19320] =	vst v63  }
0x3e: {  	_ =	swait.ge [sflag:s9], $0xC800  }
0x3f: {  	[sflag:s9] =	ssyncset.done $0x0  }
0x40: {  	s21 =	rddreg [dreg:$0xa];
	[sflag:s9] =	ssyncadd.s32 $0xFFFF3800  }
0x41: {  	[tilespmem:s2], [sflag:$0x5] =	stream.linear.gather [hbm4b:s21+s2], $0x190, $0x38;
	[tilespmem:$0x19320] =	vst v63  }
0x42: {  	_ =	swait.ge [sflag:s3], $0x190  }
0x43: {  	[sflag:s3] =	ssyncset.done $0x0  }
0x44: {  	[sflag:s3] =	ssyncadd.s32 $0xFFFFFE70  }
0x45: {  	[tilespmem:s6], [sflag:$0x1] =	stream.indirect.gather [hbm4b:s4+s5], $0x80, s2, s5, $0xb8;
	[tilespmem:$0x19320] =	vst v63  }
0x46: {  	_ =	swait.ge [sflag:s10], $0xC800  }
0x47: {  	[sflag:s10] =	ssyncset.done $0x0  }
0x48: {  	s22 =	rddreg [dreg:$0xb];
	[sflag:s10] =	ssyncadd.s32 $0xFFFF3800  }
0x49: {  	[hbm4b:s22+s2] =	stream.linear.scatter [tilespmem:s7], [sflag:$0x4], $0xC800, $0x38;
	[tilespmem:$0x19320] =	vst v63  }
0x4a: {  	_ =	swait.ge [sflag:s11], $0xC800  }
0x4b: {  	[sflag:s11] =	ssyncset.done $0x0  }
0x4c: {  	s23 =	rddreg [dreg:$0xc];
	[sflag:s11] =	ssyncadd.s32 $0xFFFF3800  }
0x4d: {  	[tilespmem:s5], [sflag:$0x5] =	stream.linear.gather [hbm4b:s23+s2], $0x190, $0x38;
	[tilespmem:$0x19320] =	vst v63  }
0x4e: {  	_ =	swait.ge [sflag:s3], $0x190  }
0x4f: {  	[sflag:s3] =	ssyncset.done $0x0  }
0x50: {  	[sflag:s3] =	ssyncadd.s32 $0xFFFFFE70  }
0x51: {  	[tilespmem:s7], [sflag:$0x2] =	stream.indirect.gather [hbm4b:s4+s5], $0x80, s5, s5, $0xb8;
	[tilespmem:$0x19320] =	vst v63  }
0x52: {  	_ =	swait.ge [sflag:s8], $0xC800  }
0x53: {  	[sflag:s8] =	ssyncset.done $0x0  }
0x54: {  	s24 =	rddreg [dreg:$0xd];
	[sflag:s8] =	ssyncadd.s32 $0xFFFF3800  }
0x55: {  	[hbm4b:s24+s2] =	stream.linear.scatter [tilespmem:s6], [sflag:$0x3], $0xC800, $0x38;
	[tilespmem:$0x19320] =	vst v63  }
0x56: {  	_ =	swait.ge [sflag:s9], $0xC800  }
0x57: {  	[sflag:s9] =	ssyncset.done $0x0  }
0x58: {  	s25 =	rddreg [dreg:$0xe];
	[sflag:s9] =	ssyncadd.s32 $0xFFFF3800  }
0x59: {  	[tilespmem:s2], [sflag:$0x5] =	stream.linear.gather [hbm4b:s25+s2], $0x190, $0x38;
	[tilespmem:$0x19320] =	vst v63  }
0x5a: {  	_ =	swait.ge [sflag:s3], $0x190  }
0x5b: {  	[sflag:s3] =	ssyncset.done $0x0  }
0x5c: {  	[sflag:s3] =	ssyncadd.s32 $0xFFFFFE70  }
0x5d: {  	[tilespmem:s6], [sflag:$0x1] =	stream.indirect.gather [hbm4b:s4+s5], $0x80, s2, s5, $0xb8;
	[tilespmem:$0x19320] =	vst v63  }
0x5e: {  	_ =	swait.ge [sflag:s10], $0xC800  }
0x5f: {  	[sflag:s10] =	ssyncset.done $0x0  }
0x60: {  	s26 =	rddreg [dreg:$0xf];
	[sflag:s10] =	ssyncadd.s32 $0xFFFF3800  }
0x61: {  	[hbm4b:s26+s2] =	stream.linear.scatter [tilespmem:s7], [sflag:$0x4], $0xC800, $0x38;
	[tilespmem:$0x19320] =	vst v63  }
0x62: {  	s15 =	sadd.s32 $0xAF0, s30;
	_ =	swait.ge [sflag:s11], $0xC800  }
0x63: {  	s0 =	sshrl.u32 s15, $0x3;
	[sflag:s11] =	ssyncset.done $0x0  }
0x64: {  	s12 =	sadd.s32 s29, s0;
	[sflag:s11] =	ssyncadd.s32 $0xFFFF3800  }
0x65: {  	[tilespmem:s5], [sflag:$0x5] =	stream.linear.gather [hbm4b:s12+s2], $0x190, $0x38;
	[tilespmem:$0x19320] =	vst v63  }
0x66: {  	_ =	swait.ge [sflag:s3], $0x190  }
0x67: {  	[sflag:s3] =	ssyncset.done $0x0  }
0x68: {  	[sflag:s3] =	ssyncadd.s32 $0xFFFFFE70  }
0x69: {  	[tilespmem:s7], [sflag:$0x2] =	stream.indirect.gather [hbm4b:s4+s5], $0x80, s5, s5, $0xb8;
	[tilespmem:$0x19320] =	vst v63  }
0x6a: {  	_ =	swait.ge [sflag:s8], $0xC800  }
0x6b: {  	s13 =	sshll.u32 s13, $0x4;
	[sflag:s8] =	ssyncset.done $0x0  }
0x6c: {  	s13 =	sadd.s32 s31, s13;
	[sflag:s8] =	ssyncadd.s32 $0xFFFF3800  }
0x6d: {  	[hbm4b:s13+s2] =	stream.linear.scatter [tilespmem:s6], [sflag:$0x3], $0xC800, $0x38;
	[tilespmem:$0x19320] =	vst v63  }
0x6e: {  	s17 =	sadd.s32 $0xC80, s30;
	_ =	swait.ge [sflag:s9], $0xC800  }
0x6f: {  	s14 =	sshrl.u32 s17, $0x3;
	[sflag:s9] =	ssyncset.done $0x0  }
0x70: {  	s14 =	sadd.s32 s29, s14;
	[sflag:s9] =	ssyncadd.s32 $0xFFFF3800  }
0x71: {  	[tilespmem:s2], [sflag:$0x5] =	stream.linear.gather [hbm4b:s14+s2], $0x190, $0x38;
	[tilespmem:$0x19320] =	vst v63  }
0x72: {  	_ =	swait.ge [sflag:s3], $0x190  }
0x73: {  	[sflag:s3] =	ssyncset.done $0x0  }
0x74: {  	[sflag:s3] =	ssyncadd.s32 $0xFFFFFE70  }
0x75: {  	[tilespmem:s6], [sflag:$0x1] =	stream.indirect.gather [hbm4b:s4+s5], $0x80, s2, s5, $0xb8;
	[tilespmem:$0x19320] =	vst v63  }
0x76: {  	_ =	swait.ge [sflag:s10], $0xC800  }
0x77: {  	s15 =	sshll.u32 s15, $0x4;
	[sflag:s10] =	ssyncset.done $0x0  }
0x78: {  	s15 =	sadd.s32 s31, s15;
	[sflag:s10] =	ssyncadd.s32 $0xFFFF3800  }
0x79: {  	[hbm4b:s15+s2] =	stream.linear.scatter [tilespmem:s7], [sflag:$0x4], $0xC800, $0x38;
	[tilespmem:$0x19320] =	vst v63  }
0x7a: {  	s19 =	sadd.s32 $0xE10, s30;
	_ =	swait.ge [sflag:s11], $0xC800  }
0x7b: {  	s16 =	sshrl.u32 s19, $0x3;
	[sflag:s11] =	ssyncset.done $0x0  }
0x7c: {  	s16 =	sadd.s32 s29, s16;
	[sflag:s11] =	ssyncadd.s32 $0xFFFF3800  }
0x7d: {  	[tilespmem:s5], [sflag:$0x5] =	stream.linear.gather [hbm4b:s16+s2], $0x190, $0x38;
	[tilespmem:$0x19320] =	vst v63  }
0x7e: {  	_ =	swait.ge [sflag:s3], $0x190  }
0x7f: {  	[sflag:s3] =	ssyncset.done $0x0  }
0x80: {  	[sflag:s3] =	ssyncadd.s32 $0xFFFFFE70  }
0x81: {  	[tilespmem:s7], [sflag:$0x2] =	stream.indirect.gather [hbm4b:s4+s5], $0x80, s5, s5, $0xb8;
	[tilespmem:$0x19320] =	vst v63  }
0x82: {  	_ =	swait.ge [sflag:s8], $0xC800  }
0x83: {  	s17 =	sshll.u32 s17, $0x4;
	[sflag:s8] =	ssyncset.done $0x0  }
0x84: {  	s17 =	sadd.s32 s31, s17;
	[sflag:s8] =	ssyncadd.s32 $0xFFFF3800  }
0x85: {  	[hbm4b:s17+s2] =	stream.linear.scatter [tilespmem:s6], [sflag:$0x3], $0xC800, $0x38;
	[tilespmem:$0x19320] =	vst v63  }
0x86: {  	s21 =	sadd.s32 $0xFA0, s30;
	_ =	swait.ge [sflag:s9], $0xC800  }
0x87: {  	s18 =	sshrl.u32 s21, $0x3;
	[sflag:s9] =	ssyncset.done $0x0  }
0x88: {  	s18 =	sadd.s32 s29, s18;
	[sflag:s9] =	ssyncadd.s32 $0xFFFF3800  }
0x89: {  	[tilespmem:s2], [sflag:$0x5] =	stream.linear.gather [hbm4b:s18+s2], $0x190, $0x38;
	[tilespmem:$0x19320] =	vst v63  }
0x8a: {  	_ =	swait.ge [sflag:s3], $0x190  }
0x8b: {  	[sflag:s3] =	ssyncset.done $0x0  }
0x8c: {  	[sflag:s3] =	ssyncadd.s32 $0xFFFFFE70  }
0x8d: {  	[tilespmem:s6], [sflag:$0x1] =	stream.indirect.gather [hbm4b:s4+s5], $0x80, s2, s5, $0xb8;
	[tilespmem:$0x19320] =	vst v63  }
0x8e: {  	_ =	swait.ge [sflag:s10], $0xC800  }
0x8f: {  	s19 =	sshll.u32 s19, $0x4;
	[sflag:s10] =	ssyncset.done $0x0  }
0x90: {  	s19 =	sadd.s32 s31, s19;
	[sflag:s10] =	ssyncadd.s32 $0xFFFF3800  }
0x91: {  	[hbm4b:s19+s2] =	stream.linear.scatter [tilespmem:s7], [sflag:$0x4], $0xC800, $0x38;
	[tilespmem:$0x19320] =	vst v63  }
0x92: {  	s23 =	sadd.s32 $0x1130, s30;
	_ =	swait.ge [sflag:s11], $0xC800  }
0x93: {  	s20 =	sshrl.u32 s23, $0x3;
	[sflag:s11] =	ssyncset.done $0x0  }
0x94: {  	s20 =	sadd.s32 s29, s20;
	[sflag:s11] =	ssyncadd.s32 $0xFFFF3800  }
0x95: {  	[tilespmem:s5], [sflag:$0x5] =	stream.linear.gather [hbm4b:s20+s2], $0x190, $0x38;
	[tilespmem:$0x19320] =	vst v63  }
0x96: {  	_ =	swait.ge [sflag:s3], $0x190  }
0x97: {  	[sflag:s3] =	ssyncset.done $0x0  }
0x98: {  	[sflag:s3] =	ssyncadd.s32 $0xFFFFFE70  }
0x99: {  	[tilespmem:s7], [sflag:$0x2] =	stream.indirect.gather [hbm4b:s4+s5], $0x80, s5, s5, $0xb8;
	[tilespmem:$0x19320] =	vst v63  }
0x9a: {  	_ =	swait.ge [sflag:s8], $0xC800  }
0x9b: {  	s21 =	sshll.u32 s21, $0x4;
	[sflag:s8] =	ssyncset.done $0x0  }
0x9c: {  	s21 =	sadd.s32 s31, s21;
	[sflag:s8] =	ssyncadd.s32 $0xFFFF3800  }
0x9d: {  	[hbm4b:s21+s2] =	stream.linear.scatter [tilespmem:s6], [sflag:$0x3], $0xC800, $0x38;
	[tilespmem:$0x19320] =	vst v63  }
0x9e: {  	s25 =	sadd.s32 $0x12C0, s30;
	_ =	swait.ge [sflag:s9], $0xC800  }
0x9f: {  	s22 =	sshrl.u32 s25, $0x3;
	[sflag:s9] =	ssyncset.done $0x0  }
0xa0: {  	s22 =	sadd.s32 s29, s22;
	[sflag:s9] =	ssyncadd.s32 $0xFFFF3800  }
0xa1: {  	[tilespmem:s2], [sflag:$0x5] =	stream.linear.gather [hbm4b:s22+s2], $0x190, $0x38;
	[tilespmem:$0x19320] =	vst v63  }
0xa2: {  	_ =	swait.ge [sflag:s3], $0x190  }
0xa3: {  	[sflag:s3] =	ssyncset.done $0x0  }
0xa4: {  	[sflag:s3] =	ssyncadd.s32 $0xFFFFFE70  }
0xa5: {  	[tilespmem:s6], [sflag:$0x1] =	stream.indirect.gather [hbm4b:s4+s5], $0x80, s2, s5, $0xb8;
	[tilespmem:$0x19320] =	vst v63  }
0xa6: {  	_ =	swait.ge [sflag:s10], $0xC800  }
0xa7: {  	s23 =	sshll.u32 s23, $0x4;
	[sflag:s10] =	ssyncset.done $0x0  }
0xa8: {  	s23 =	sadd.s32 s31, s23;
	[sflag:s10] =	ssyncadd.s32 $0xFFFF3800  }
0xa9: {  	[hbm4b:s23+s2] =	stream.linear.scatter [tilespmem:s7], [sflag:$0x4], $0xC800, $0x38;
	[tilespmem:$0x19320] =	vst v63  }
0xaa: {  	s28 =	sadd.s32 $0x1450, s30;
	_ =	swait.ge [sflag:s11], $0xC800  }
0xab: {  	s24 =	sshrl.u32 s28, $0x3;
	[sflag:s11] =	ssyncset.done $0x0  }
0xac: {  	s24 =	sadd.s32 s29, s24;
	[sflag:s11] =	ssyncadd.s32 $0xFFFF3800  }
0xad: {  	[tilespmem:s5], [sflag:$0x5] =	stream.linear.gather [hbm4b:s24+s2], $0x190, $0x38;
	[tilespmem:$0x19320] =	vst v63  }
0xae: {  	_ =	swait.ge [sflag:s3], $0x190  }
0xaf: {  	[sflag:s3] =	ssyncset.done $0x0  }
0xb0: {  	[sflag:s3] =	ssyncadd.s32 $0xFFFFFE70  }
0xb1: {  	[tilespmem:s7], [sflag:$0x2] =	stream.indirect.gather [hbm4b:s4+s5], $0x80, s5, s5, $0xb8;
	[tilespmem:$0x19320] =	vst v63  }
0xb2: {  	_ =	swait.ge [sflag:s8], $0xC800  }
0xb3: {  	s25 =	sshll.u32 s25, $0x4;
	[sflag:s8] =	ssyncset.done $0x0  }
0xb4: {  	s25 =	sadd.s32 s31, s25;
	[sflag:s8] =	ssyncadd.s32 $0xFFFF3800  }
0xb5: {  	[hbm4b:s25+s2] =	stream.linear.scatter [tilespmem:s6], [sflag:$0x3], $0xC800, $0x38;
	[tilespmem:$0x19320] =	vst v63  }
0xb6: {  	s1 =	sadd.s32 $0x15E0, s30;
	_ =	swait.ge [sflag:s9], $0xC800  }
0xb7: {  	s26 =	sshrl.u32 s1, $0x3;
	[sflag:s9] =	ssyncset.done $0x0  }
0xb8: {  	s26 =	sadd.s32 s29, s26;
	[sflag:s9] =	ssyncadd.s32 $0xFFFF3800  }
0xb9: {  	[tilespmem:s2], [sflag:$0x5] =	stream.linear.gather [hbm4b:s26+s2], $0x190, $0x38;
	[tilespmem:$0x19320] =	vst v63  }
0xba: {  	_ =	swait.ge [sflag:s3], $0x190  }
0xbb: {  	[sflag:s3] =	ssyncset.done $0x0  }
0xbc: {  	[sflag:s3] =	ssyncadd.s32 $0xFFFFFE70  }
0xbd: {  	[tilespmem:s6], [sflag:$0x1] =	stream.indirect.gather [hbm4b:s4+s5], $0x80, s2, s5, $0xb8;
	[tilespmem:$0x19320] =	vst v63  }
0xbe: {  	_ =	swait.ge [sflag:s10], $0xC800  }
0xbf: {  	s28 =	sshll.u32 s28, $0x4;
	[sflag:s10] =	ssyncset.done $0x0  }
0xc0: {  	s28 =	sadd.s32 s31, s28;
	[sflag:s10] =	ssyncadd.s32 $0xFFFF3800  }
0xc1: {  	[hbm4b:s28+s2] =	stream.linear.scatter [tilespmem:s7], [sflag:$0x4], $0xC800, $0x38;
	[tilespmem:$0x19320] =	vst v63  }
0xc2: {  	s0 =	sadd.s32 $0x1770, s30;
	_ =	swait.ge [sflag:s11], $0xC800  }
0xc3: {  	s30 =	sshrl.u32 s0, $0x3;
	[sflag:s11] =	ssyncset.done $0x0  }
0xc4: {  	s29 =	sadd.s32 s29, s30;
	[sflag:s11] =	ssyncadd.s32 $0xFFFF3800  }
0xc5: {  	[tilespmem:s5], [sflag:$0x5] =	stream.linear.gather [hbm4b:s29+s2], $0x190, $0x38;
	[tilespmem:$0x19320] =	vst v63  }
0xc6: {  	_ =	swait.ge [sflag:s3], $0x190  }
0xc7: {  	[sflag:s3] =	ssyncset.done $0x0  }
0xc8: {  	[sflag:s3] =	ssyncadd.s32 $0xFFFFFE70  }
0xc9: {  	[tilespmem:s7], [sflag:$0x2] =	stream.indirect.gather [hbm4b:s4+s5], $0x80, s5, s5, $0xb8;
	[tilespmem:$0x19320] =	vst v63  }
0xca: {  	_ =	swait.ge [sflag:s8], $0xC800  }
0xcb: {  	s1 =	sshll.u32 s1, $0x4;
	[sflag:s8] =	ssyncset.done $0x0  }
0xcc: {  	s30 =	sadd.s32 s31, s1;
	[sflag:s8] =	ssyncadd.s32 $0xFFFF3800  }
0xcd: {  	[hbm4b:s30+s2] =	stream.linear.scatter [tilespmem:s6], [sflag:$0x3], $0xC800, $0x38;
	[tilespmem:$0x19320] =	vst v63  }
0xce: {  	_ =	swait.ge [sflag:s10], $0xC800  }
0xcf: {  	s0 =	sshll.u32 s0, $0x4;
	[sflag:s10] =	ssyncset.done $0x0;
	s1 =	rddreg [dreg:$0x10]  }
0xd0: {  	s31 =	sadd.s32 s31, s0;
	s0 =	ssub.s32 $0x2, s1;
	[sflag:s10] =	ssyncadd.s32 $0xFFFF3800  }
0xd1: {  	[hbm4b:s31+s2] =	stream.linear.scatter [tilespmem:s7], [sflag:$0x4], $0xC800, $0x38;
	[tilespmem:$0x19320] =	vst v63  }
0xd2: {  	s1 =	sshrl.u32 s0, $0x1  }
0xd3: {  	s0 =	ssub.s32 s0, s1  }
0xd4: {  	s0 =	smax.u32 s0, $0x1  }
0xd5: {  	p0 =	sne.s32 s0, $0x1  }
.Ltmp0:
0xd6: {  	_ =	swait.ge [sflag:s9], $0xC800;
	(pc) =	sbr.rel @!p0 .LBB2_2-.Ltmp0, $4  }
0xd7: {  	[sflag:s9] =	ssyncset.done $0x0  }
0xd8: {  	[sflag:s9] =	ssyncadd.s32 $0xFFFF3800  }
0xd9: {  	_ =	swait.ge [sflag:s11], $0xC800  }
0xda: {  	s1 =	sadd.s32 $0xFFFFFFFF, s0;
	[sflag:s11] =	ssyncset.done $0x0  }
.LBB2_1:
0xdb: {  	s0 =	rddreg [dreg:$0x3];
	[sflag:s11] =	ssyncadd.s32 $0xFFFF3800  }
0xdc: {  	[tilespmem:s2], [sflag:$0x5] =	stream.linear.gather [hbm4b:s0+s2], $0x190, $0x38;
	[tilespmem:$0x19320] =	vst v63  }
0xdd: {  	_ =	swait.ge [sflag:s3], $0x190  }
0xde: {  	[sflag:s3] =	ssyncset.done $0x0  }
0xdf: {  	[sflag:s3] =	ssyncadd.s32 $0xFFFFFE70  }
0xe0: {  	[tilespmem:s6], [sflag:$0x1] =	stream.indirect.gather [hbm4b:s4+s5], $0x80, s2, s5, $0xb8;
	[tilespmem:$0x19320] =	vst v63  }
0xe1: {  	s0 =	rddreg [dreg:$0x4]  }
0xe2: {  	[tilespmem:s5], [sflag:$0x5] =	stream.linear.gather [hbm4b:s0+s2], $0x190, $0x38;
	[tilespmem:$0x19320] =	vst v63  }
0xe3: {  	_ =	swait.ge [sflag:s3], $0x190  }
0xe4: {  	[sflag:s3] =	ssyncset.done $0x0  }
0xe5: {  	[sflag:s3] =	ssyncadd.s32 $0xFFFFFE70  }
0xe6: {  	[tilespmem:s7], [sflag:$0x2] =	stream.indirect.gather [hbm4b:s4+s5], $0x80, s5, s5, $0xb8;
	[tilespmem:$0x19320] =	vst v63  }
0xe7: {  	_ =	swait.ge [sflag:s8], $0xC800  }
0xe8: {  	[sflag:s8] =	ssyncset.done $0x0  }
0xe9: {  	s0 =	rddreg [dreg:$0x5];
	[sflag:s8] =	ssyncadd.s32 $0xFFFF3800  }
0xea: {  	[hbm4b:s0+s2] =	stream.linear.scatter [tilespmem:s6], [sflag:$0x3], $0xC800, $0x38;
	[tilespmem:$0x19320] =	vst v63  }
0xeb: {  	_ =	swait.ge [sflag:s9], $0xC800  }
0xec: {  	[sflag:s9] =	ssyncset.done $0x0  }
0xed: {  	s0 =	rddreg [dreg:$0x6];
	[sflag:s9] =	ssyncadd.s32 $0xFFFF3800  }
0xee: {  	[tilespmem:s2], [sflag:$0x5] =	stream.linear.gather [hbm4b:s0+s2], $0x190, $0x38;
	[tilespmem:$0x19320] =	vst v63  }
0xef: {  	_ =	swait.ge [sflag:s3], $0x190  }
0xf0: {  	[sflag:s3] =	ssyncset.done $0x0  }
0xf1: {  	[sflag:s3] =	ssyncadd.s32 $0xFFFFFE70  }
0xf2: {  	[tilespmem:s6], [sflag:$0x1] =	stream.indirect.gather [hbm4b:s4+s5], $0x80, s2, s5, $0xb8;
	[tilespmem:$0x19320] =	vst v63  }
0xf3: {  	_ =	swait.ge [sflag:s10], $0xC800  }
0xf4: {  	[sflag:s10] =	ssyncset.done $0x0  }
0xf5: {  	s0 =	rddreg [dreg:$0x7];
	[sflag:s10] =	ssyncadd.s32 $0xFFFF3800  }
0xf6: {  	[hbm4b:s0+s2] =	stream.linear.scatter [tilespmem:s7], [sflag:$0x4], $0xC800, $0x38;
	[tilespmem:$0x19320] =	vst v63  }
0xf7: {  	_ =	swait.ge [sflag:s11], $0xC800  }
0xf8: {  	[sflag:s11] =	ssyncset.done $0x0  }
0xf9: {  	s0 =	rddreg [dreg:$0x8];
	[sflag:s11] =	ssyncadd.s32 $0xFFFF3800  }
0xfa: {  	[tilespmem:s5], [sflag:$0x5] =	stream.linear.gather [hbm4b:s0+s2], $0x190, $0x38;
	[tilespmem:$0x19320] =	vst v63  }
0xfb: {  	_ =	swait.ge [sflag:s3], $0x190  }
0xfc: {  	[sflag:s3] =	ssyncset.done $0x0  }
0xfd: {  	[sflag:s3] =	ssyncadd.s32 $0xFFFFFE70  }
0xfe: {  	[tilespmem:s7], [sflag:$0x2] =	stream.indirect.gather [hbm4b:s4+s5], $0x80, s5, s5, $0xb8;
	[tilespmem:$0x19320] =	vst v63  }
0xff: {  	_ =	swait.ge [sflag:s8], $0xC800  }
0x100: {  	[sflag:s8] =	ssyncset.done $0x0  }
0x101: {  	s0 =	rddreg [dreg:$0x9];
	[sflag:s8] =	ssyncadd.s32 $0xFFFF3800  }
0x102: {  	[hbm4b:s0+s2] =	stream.linear.scatter [tilespmem:s6], [sflag:$0x3], $0xC800, $0x38;
	[tilespmem:$0x19320] =	vst v63  }
0x103: {  	_ =	swait.ge [sflag:s9], $0xC800  }
0x104: {  	[sflag:s9] =	ssyncset.done $0x0  }
0x105: {  	s0 =	rddreg [dreg:$0xa];
	[sflag:s9] =	ssyncadd.s32 $0xFFFF3800  }
0x106: {  	[tilespmem:s2], [sflag:$0x5] =	stream.linear.gather [hbm4b:s0+s2], $0x190, $0x38;
	[tilespmem:$0x19320] =	vst v63  }
0x107: {  	_ =	swait.ge [sflag:s3], $0x190  }
0x108: {  	[sflag:s3] =	ssyncset.done $0x0  }
0x109: {  	[sflag:s3] =	ssyncadd.s32 $0xFFFFFE70  }
0x10a: {  	[tilespmem:s6], [sflag:$0x1] =	stream.indirect.gather [hbm4b:s4+s5], $0x80, s2, s5, $0xb8;
	[tilespmem:$0x19320] =	vst v63  }
0x10b: {  	_ =	swait.ge [sflag:s10], $0xC800  }
0x10c: {  	[sflag:s10] =	ssyncset.done $0x0  }
0x10d: {  	s0 =	rddreg [dreg:$0xb];
	[sflag:s10] =	ssyncadd.s32 $0xFFFF3800  }
0x10e: {  	[hbm4b:s0+s2] =	stream.linear.scatter [tilespmem:s7], [sflag:$0x4], $0xC800, $0x38;
	[tilespmem:$0x19320] =	vst v63  }
0x10f: {  	_ =	swait.ge [sflag:s11], $0xC800  }
0x110: {  	[sflag:s11] =	ssyncset.done $0x0  }
0x111: {  	s0 =	rddreg [dreg:$0xc];
	[sflag:s11] =	ssyncadd.s32 $0xFFFF3800  }
0x112: {  	[tilespmem:s5], [sflag:$0x5] =	stream.linear.gather [hbm4b:s0+s2], $0x190, $0x38;
	[tilespmem:$0x19320] =	vst v63  }
0x113: {  	_ =	swait.ge [sflag:s3], $0x190  }
0x114: {  	[sflag:s3] =	ssyncset.done $0x0  }
0x115: {  	[sflag:s3] =	ssyncadd.s32 $0xFFFFFE70  }
0x116: {  	[tilespmem:s7], [sflag:$0x2] =	stream.indirect.gather [hbm4b:s4+s5], $0x80, s5, s5, $0xb8;
	[tilespmem:$0x19320] =	vst v63  }
0x117: {  	_ =	swait.ge [sflag:s8], $0xC800  }
0x118: {  	[sflag:s8] =	ssyncset.done $0x0  }
0x119: {  	s0 =	rddreg [dreg:$0xd];
	[sflag:s8] =	ssyncadd.s32 $0xFFFF3800  }
0x11a: {  	[hbm4b:s0+s2] =	stream.linear.scatter [tilespmem:s6], [sflag:$0x3], $0xC800, $0x38;
	[tilespmem:$0x19320] =	vst v63  }
0x11b: {  	_ =	swait.ge [sflag:s9], $0xC800  }
0x11c: {  	[sflag:s9] =	ssyncset.done $0x0  }
0x11d: {  	s0 =	rddreg [dreg:$0xe];
	[sflag:s9] =	ssyncadd.s32 $0xFFFF3800  }
0x11e: {  	[tilespmem:s2], [sflag:$0x5] =	stream.linear.gather [hbm4b:s0+s2], $0x190, $0x38;
	[tilespmem:$0x19320] =	vst v63  }
0x11f: {  	_ =	swait.ge [sflag:s3], $0x190  }
0x120: {  	[sflag:s3] =	ssyncset.done $0x0  }
0x121: {  	[sflag:s3] =	ssyncadd.s32 $0xFFFFFE70  }
0x122: {  	[tilespmem:s6], [sflag:$0x1] =	stream.indirect.gather [hbm4b:s4+s5], $0x80, s2, s5, $0xb8;
	[tilespmem:$0x19320] =	vst v63  }
0x123: {  	_ =	swait.ge [sflag:s10], $0xC800  }
0x124: {  	[sflag:s10] =	ssyncset.done $0x0  }
0x125: {  	s0 =	rddreg [dreg:$0xf];
	[sflag:s10] =	ssyncadd.s32 $0xFFFF3800  }
0x126: {  	[hbm4b:s0+s2] =	stream.linear.scatter [tilespmem:s7], [sflag:$0x4], $0xC800, $0x38;
	[tilespmem:$0x19320] =	vst v63  }
0x127: {  	_ =	swait.ge [sflag:s11], $0xC800  }
0x128: {  	[sflag:s11] =	ssyncset.done $0x0  }
0x129: {  	[sflag:s11] =	ssyncadd.s32 $0xFFFF3800  }
0x12a: {  	[tilespmem:s5], [sflag:$0x5] =	stream.linear.gather [hbm4b:s12+s2], $0x190, $0x38;
	[tilespmem:$0x19320] =	vst v63  }
0x12b: {  	_ =	swait.ge [sflag:s3], $0x190  }
0x12c: {  	[sflag:s3] =	ssyncset.done $0x0  }
0x12d: {  	[sflag:s3] =	ssyncadd.s32 $0xFFFFFE70  }
0x12e: {  	[tilespmem:s7], [sflag:$0x2] =	stream.indirect.gather [hbm4b:s4+s5], $0x80, s5, s5, $0xb8;
	[tilespmem:$0x19320] =	vst v63  }
0x12f: {  	_ =	swait.ge [sflag:s8], $0xC800  }
0x130: {  	[sflag:s8] =	ssyncset.done $0x0  }
0x131: {  	[sflag:s8] =	ssyncadd.s32 $0xFFFF3800  }
0x132: {  	[hbm4b:s13+s2] =	stream.linear.scatter [tilespmem:s6], [sflag:$0x3], $0xC800, $0x38;
	[tilespmem:$0x19320] =	vst v63  }
0x133: {  	_ =	swait.ge [sflag:s9], $0xC800  }
0x134: {  	[sflag:s9] =	ssyncset.done $0x0  }
0x135: {  	[sflag:s9] =	ssyncadd.s32 $0xFFFF3800  }
0x136: {  	[tilespmem:s2], [sflag:$0x5] =	stream.linear.gather [hbm4b:s14+s2], $0x190, $0x38;
	[tilespmem:$0x19320] =	vst v63  }
0x137: {  	_ =	swait.ge [sflag:s3], $0x190  }
0x138: {  	[sflag:s3] =	ssyncset.done $0x0  }
0x139: {  	[sflag:s3] =	ssyncadd.s32 $0xFFFFFE70  }
0x13a: {  	[tilespmem:s6], [sflag:$0x1] =	stream.indirect.gather [hbm4b:s4+s5], $0x80, s2, s5, $0xb8;
	[tilespmem:$0x19320] =	vst v63  }
0x13b: {  	_ =	swait.ge [sflag:s10], $0xC800  }
0x13c: {  	[sflag:s10] =	ssyncset.done $0x0  }
0x13d: {  	[sflag:s10] =	ssyncadd.s32 $0xFFFF3800  }
0x13e: {  	[hbm4b:s15+s2] =	stream.linear.scatter [tilespmem:s7], [sflag:$0x4], $0xC800, $0x38;
	[tilespmem:$0x19320] =	vst v63  }
0x13f: {  	_ =	swait.ge [sflag:s11], $0xC800  }
0x140: {  	[sflag:s11] =	ssyncset.done $0x0  }
0x141: {  	[sflag:s11] =	ssyncadd.s32 $0xFFFF3800  }
0x142: {  	[tilespmem:s5], [sflag:$0x5] =	stream.linear.gather [hbm4b:s16+s2], $0x190, $0x38;
	[tilespmem:$0x19320] =	vst v63  }
0x143: {  	_ =	swait.ge [sflag:s3], $0x190  }
0x144: {  	[sflag:s3] =	ssyncset.done $0x0  }
0x145: {  	[sflag:s3] =	ssyncadd.s32 $0xFFFFFE70  }
0x146: {  	[tilespmem:s7], [sflag:$0x2] =	stream.indirect.gather [hbm4b:s4+s5], $0x80, s5, s5, $0xb8;
	[tilespmem:$0x19320] =	vst v63  }
0x147: {  	_ =	swait.ge [sflag:s8], $0xC800  }
0x148: {  	[sflag:s8] =	ssyncset.done $0x0  }
0x149: {  	[sflag:s8] =	ssyncadd.s32 $0xFFFF3800  }
0x14a: {  	[hbm4b:s17+s2] =	stream.linear.scatter [tilespmem:s6], [sflag:$0x3], $0xC800, $0x38;
	[tilespmem:$0x19320] =	vst v63  }
0x14b: {  	_ =	swait.ge [sflag:s9], $0xC800  }
0x14c: {  	[sflag:s9] =	ssyncset.done $0x0  }
0x14d: {  	[sflag:s9] =	ssyncadd.s32 $0xFFFF3800  }
0x14e: {  	[tilespmem:s2], [sflag:$0x5] =	stream.linear.gather [hbm4b:s18+s2], $0x190, $0x38;
	[tilespmem:$0x19320] =	vst v63  }
0x14f: {  	_ =	swait.ge [sflag:s3], $0x190  }
0x150: {  	[sflag:s3] =	ssyncset.done $0x0  }
0x151: {  	[sflag:s3] =	ssyncadd.s32 $0xFFFFFE70  }
0x152: {  	[tilespmem:s6], [sflag:$0x1] =	stream.indirect.gather [hbm4b:s4+s5], $0x80, s2, s5, $0xb8;
	[tilespmem:$0x19320] =	vst v63  }
0x153: {  	_ =	swait.ge [sflag:s10], $0xC800  }
0x154: {  	[sflag:s10] =	ssyncset.done $0x0  }
0x155: {  	[sflag:s10] =	ssyncadd.s32 $0xFFFF3800  }
0x156: {  	[hbm4b:s19+s2] =	stream.linear.scatter [tilespmem:s7], [sflag:$0x4], $0xC800, $0x38;
	[tilespmem:$0x19320] =	vst v63  }
0x157: {  	_ =	swait.ge [sflag:s11], $0xC800  }
0x158: {  	[sflag:s11] =	ssyncset.done $0x0  }
0x159: {  	[sflag:s11] =	ssyncadd.s32 $0xFFFF3800  }
0x15a: {  	[tilespmem:s5], [sflag:$0x5] =	stream.linear.gather [hbm4b:s20+s2], $0x190, $0x38;
	[tilespmem:$0x19320] =	vst v63  }
0x15b: {  	_ =	swait.ge [sflag:s3], $0x190  }
0x15c: {  	[sflag:s3] =	ssyncset.done $0x0  }
0x15d: {  	[sflag:s3] =	ssyncadd.s32 $0xFFFFFE70  }
0x15e: {  	[tilespmem:s7], [sflag:$0x2] =	stream.indirect.gather [hbm4b:s4+s5], $0x80, s5, s5, $0xb8;
	[tilespmem:$0x19320] =	vst v63  }
0x15f: {  	_ =	swait.ge [sflag:s8], $0xC800  }
0x160: {  	[sflag:s8] =	ssyncset.done $0x0  }
0x161: {  	[sflag:s8] =	ssyncadd.s32 $0xFFFF3800  }
0x162: {  	[hbm4b:s21+s2] =	stream.linear.scatter [tilespmem:s6], [sflag:$0x3], $0xC800, $0x38;
	[tilespmem:$0x19320] =	vst v63  }
0x163: {  	_ =	swait.ge [sflag:s9], $0xC800  }
0x164: {  	[sflag:s9] =	ssyncset.done $0x0  }
0x165: {  	[sflag:s9] =	ssyncadd.s32 $0xFFFF3800  }
0x166: {  	[tilespmem:s2], [sflag:$0x5] =	stream.linear.gather [hbm4b:s22+s2], $0x190, $0x38;
	[tilespmem:$0x19320] =	vst v63  }
0x167: {  	_ =	swait.ge [sflag:s3], $0x190  }
0x168: {  	[sflag:s3] =	ssyncset.done $0x0  }
0x169: {  	[sflag:s3] =	ssyncadd.s32 $0xFFFFFE70  }
0x16a: {  	[tilespmem:s6], [sflag:$0x1] =	stream.indirect.gather [hbm4b:s4+s5], $0x80, s2, s5, $0xb8;
	[tilespmem:$0x19320] =	vst v63  }
0x16b: {  	_ =	swait.ge [sflag:s10], $0xC800  }
0x16c: {  	[sflag:s10] =	ssyncset.done $0x0  }
0x16d: {  	[sflag:s10] =	ssyncadd.s32 $0xFFFF3800  }
0x16e: {  	[hbm4b:s23+s2] =	stream.linear.scatter [tilespmem:s7], [sflag:$0x4], $0xC800, $0x38;
	[tilespmem:$0x19320] =	vst v63  }
0x16f: {  	_ =	swait.ge [sflag:s11], $0xC800  }
0x170: {  	[sflag:s11] =	ssyncset.done $0x0  }
0x171: {  	[sflag:s11] =	ssyncadd.s32 $0xFFFF3800  }
0x172: {  	[tilespmem:s5], [sflag:$0x5] =	stream.linear.gather [hbm4b:s24+s2], $0x190, $0x38;
	[tilespmem:$0x19320] =	vst v63  }
0x173: {  	_ =	swait.ge [sflag:s3], $0x190  }
0x174: {  	[sflag:s3] =	ssyncset.done $0x0  }
0x175: {  	[sflag:s3] =	ssyncadd.s32 $0xFFFFFE70  }
0x176: {  	[tilespmem:s7], [sflag:$0x2] =	stream.indirect.gather [hbm4b:s4+s5], $0x80, s5, s5, $0xb8;
	[tilespmem:$0x19320] =	vst v63  }
0x177: {  	_ =	swait.ge [sflag:s8], $0xC800  }
0x178: {  	[sflag:s8] =	ssyncset.done $0x0  }
0x179: {  	[sflag:s8] =	ssyncadd.s32 $0xFFFF3800  }
0x17a: {  	[hbm4b:s25+s2] =	stream.linear.scatter [tilespmem:s6], [sflag:$0x3], $0xC800, $0x38;
	[tilespmem:$0x19320] =	vst v63  }
0x17b: {  	_ =	swait.ge [sflag:s9], $0xC800  }
0x17c: {  	[sflag:s9] =	ssyncset.done $0x0  }
0x17d: {  	[sflag:s9] =	ssyncadd.s32 $0xFFFF3800  }
0x17e: {  	[tilespmem:s2], [sflag:$0x5] =	stream.linear.gather [hbm4b:s26+s2], $0x190, $0x38;
	[tilespmem:$0x19320] =	vst v63  }
0x17f: {  	_ =	swait.ge [sflag:s3], $0x190  }
0x180: {  	[sflag:s3] =	ssyncset.done $0x0  }
0x181: {  	[sflag:s3] =	ssyncadd.s32 $0xFFFFFE70  }
0x182: {  	[tilespmem:s6], [sflag:$0x1] =	stream.indirect.gather [hbm4b:s4+s5], $0x80, s2, s5, $0xb8;
	[tilespmem:$0x19320] =	vst v63  }
0x183: {  	_ =	swait.ge [sflag:s10], $0xC800  }
0x184: {  	[sflag:s10] =	ssyncset.done $0x0  }
0x185: {  	[sflag:s10] =	ssyncadd.s32 $0xFFFF3800  }
0x186: {  	[hbm4b:s28+s2] =	stream.linear.scatter [tilespmem:s7], [sflag:$0x4], $0xC800, $0x38;
	[tilespmem:$0x19320] =	vst v63  }
0x187: {  	_ =	swait.ge [sflag:s11], $0xC800  }
0x188: {  	[sflag:s11] =	ssyncset.done $0x0  }
0x189: {  	[sflag:s11] =	ssyncadd.s32 $0xFFFF3800  }
0x18a: {  	[tilespmem:s5], [sflag:$0x5] =	stream.linear.gather [hbm4b:s29+s2], $0x190, $0x38;
	[tilespmem:$0x19320] =	vst v63  }
0x18b: {  	_ =	swait.ge [sflag:s3], $0x190  }
0x18c: {  	[sflag:s3] =	ssyncset.done $0x0  }
0x18d: {  	[sflag:s3] =	ssyncadd.s32 $0xFFFFFE70  }
0x18e: {  	[tilespmem:s7], [sflag:$0x2] =	stream.indirect.gather [hbm4b:s4+s5], $0x80, s5, s5, $0xb8;
	[tilespmem:$0x19320] =	vst v63  }
0x18f: {  	_ =	swait.ge [sflag:s8], $0xC800  }
0x190: {  	[sflag:s8] =	ssyncset.done $0x0  }
0x191: {  	[sflag:s8] =	ssyncadd.s32 $0xFFFF3800  }
0x192: {  	[hbm4b:s30+s2] =	stream.linear.scatter [tilespmem:s6], [sflag:$0x3], $0xC800, $0x38;
	[tilespmem:$0x19320] =	vst v63  }
0x193: {  	_ =	swait.ge [sflag:s10], $0xC800  }
0x194: {  	[sflag:s10] =	ssyncset.done $0x0  }
0x195: {  	p0 =	sne.s32 s1, $0x1;
	[sflag:s10] =	ssyncadd.s32 $0xFFFF3800  }
0x196: {  	[hbm4b:s31+s2] =	stream.linear.scatter [tilespmem:s7], [sflag:$0x4], $0xC800, $0x38;
	[tilespmem:$0x19320] =	vst v63  }
.Ltmp1:
0x197: {  	_ =	swait.ge [sflag:s9], $0xC800;
	(pc) =	sbr.rel @p0 .LBB2_1-.Ltmp1, $4  }
0x198: {  	[sflag:s9] =	ssyncset.done $0x0  }
0x199: {  	[sflag:s9] =	ssyncadd.s32 $0xFFFF3800  }
0x19a: {  	_ =	swait.ge [sflag:s11], $0xC800  }
0x19b: {  	s1 =	sadd.s32 $0xFFFFFFFF, s1;
	[sflag:s11] =	ssyncset.done $0x0  }
.LBB2_2:
0x19c: {  	[sflag:s11] =	ssyncadd.s32 $0xFFFF3800  }
0x19d: {  	_ =	sfence.sel $0x180000  }
0x19e: {  	[bflag:$0x0] =	sbarrier.arrive $0xFFFF  }
0x19f: {  	_ =	strace $0x90000047  }
0x1a0: {  	s0 =	stileid.u32;
	[bflag:$0x2] =	sbarrier.arrive $0xFFFF  }
0x1a1: {  	p0 =	sne.s32 s0, $0x0;
	s0 =	rddreg [dreg:$0x2]  }
0x1a2: {  	s0 =	sadd.s32 @!p0 $0x100000, s0  }
0x1a3: {  	[sflag:s0] =	ssyncadd.tile.s32 @!p0 $0x1;
	_ =	shalt  }
.Lfunc_end2:
_tile_overlayer_lowered:
.L_overlay_start_2:
0x1a4: {  	(tag) =	ssettag $0x2  }
0x1a5: {  	s0 =	rddreg [dreg:$0x0];
	s2 =	stileid.u32  }
0x1a6: {  	s1 =	rddreg [dreg:$0x1];
	p0 =	sne.s32 s2, $0x0  }
0x1a7: {  	s3 =	rddreg [dreg:$0x2];
	[bflag:$0x3] =	sbarrier.arrive $0xFFFF;
	s2 =	simm.s32 @!p0 $0x1C05  }
0x1a8: {  	[timem:s3], [sflag:s2] =	dma.local @!p0 [hbm:s0], s1  }
0x1a9: {  	s0 =	simm.s32 @!p0 $0x5  }
0x1aa: {  	_ =	swait.ge @!p0 [sflag:s0], s1  }
0x1ab: {  	s1 =	ssub.s32 @!p0 $0x0, s1;
	[sflag:s0] =	ssyncset.done @!p0 $0x0  }
0x1ac: {  	[sflag:s0] =	ssyncadd.s32 @!p0 s1  }
0x1ad: {  	[bflag:$0x3] =	sbarrier.arrive $0xFFFF  }
0x1ae: {  	_ =	shalt  }

</sc_bundles>
